<compile_context>
chip_gen: v7x
topology: tpu7x:2x2x1
jax: 0.10.2.dev20260603
libtpu: 0.0.44.dev20260713+nightly
codegen_flags: <defaults>
</compile_context>

<pallas_src>
import functools

import jax
import jax.numpy as jnp
from jax import lax
from jax.experimental import pallas as pl
from jax.experimental.pallas import tpu as pltpu
from jax.experimental.pallas import tpu_sc as plsc

_N = 10000
_E = 320000
_D = 128
_H = 128
_HD = _H // 2
_FH = 256
_C = 5
_G = 64

_NSC = 2
_NTILE = 16
_NW = _NSC * _NTILE

_CH = 128
_EROWS = 2560
_EPAD = _EROWS * _CH - _E
_NPH = 10016
_NP = 10240
_RPT = _NP // _NTILE
_ZR = 128

_NCHUNK_D = _EROWS // _NW
_NCHUNK = _EROWS // _NTILE

_R = 2000
_NBLK = _N // _R

_sc_mesh = plsc.VectorSubcoreMesh(core_axis_name="c", subcore_axis_name="s")


@functools.partial(
    pl.kernel,
    out_type=jax.ShapeDtypeStruct((_NSC, _NP, 16), jnp.float32),
    mesh=_sc_mesh,
    compiler_params=pltpu.CompilerParams(use_tc_tiling_on_sc=False),
    scratch_types=[
        pltpu.VMEM((_NCHUNK_D, _CH), jnp.int32),
        pltpu.VMEM((_CH, 16), jnp.float32),
        pltpu.VMEM((_ZR, 16), jnp.float32),
        pltpu.VMEM_SHARED((_NP, 16), jnp.float32),
    ],
)
def _deg(eix_hbm, out_hbm, dstb, onesb, zb, acc):
    c = lax.axis_index("c")
    s = lax.axis_index("s")
    wid = c * _NTILE + s

    pltpu.sync_copy(eix_hbm.at[1, pl.ds(wid * _NCHUNK_D, _NCHUNK_D)], dstb)

    def _fill(i, carry):
        onesb[i, :] = jnp.full((16,), 1.0, jnp.float32)
        zb[i, :] = jnp.zeros((16,), jnp.float32)
        return carry

    lax.fori_loop(0, _CH, _fill, 0)

    def _zero(k, carry):
        pltpu.sync_copy(zb, acc.at[pl.ds(s * _RPT + k * _ZR, _ZR)])
        return carry

    lax.fori_loop(0, _RPT // _ZR, _zero, 0)
    plsc.subcore_barrier()

    def _step(g, carry):
        pltpu.sync_copy(onesb, acc.at[dstb.at[g]], add=True)
        return carry

    lax.fori_loop(0, _NCHUNK_D, _step, 0)
    plsc.subcore_barrier()
    pltpu.sync_copy(acc.at[pl.ds(s * _RPT, _RPT)],
                    out_hbm.at[c, pl.ds(s * _RPT, _RPT)])


@functools.partial(
    pl.kernel,
    out_type=jax.ShapeDtypeStruct((_NSC, _NP, _HD), jnp.bfloat16),
    mesh=_sc_mesh,
    compiler_params=pltpu.CompilerParams(use_tc_tiling_on_sc=False),
    scratch_types=[
        pltpu.VMEM((_NCHUNK, _CH), jnp.int32),
        pltpu.VMEM((_NCHUNK, _CH), jnp.int32),
        pltpu.VMEM((_CH, _HD), jnp.bfloat16),
        pltpu.VMEM((_CH, _HD), jnp.bfloat16),
        pltpu.VMEM((_CH, _HD), jnp.bfloat16),
        pltpu.VMEM((_CH, _HD), jnp.bfloat16),
        pltpu.VMEM((_ZR, _HD), jnp.bfloat16),
        pltpu.VMEM_SHARED((_NP, _HD), jnp.bfloat16),
        pltpu.SemaphoreType.DMA,
        pltpu.SemaphoreType.DMA,
        pltpu.SemaphoreType.DMA,
        pltpu.SemaphoreType.DMA,
        pltpu.SemaphoreType.DMA,
        pltpu.SemaphoreType.DMA,
        pltpu.SemaphoreType.DMA,
        pltpu.SemaphoreType.DMA,
    ],
)
def _mp(hp_hbm, eix_hbm, out_hbm, srcb, dstb, rows0, rows1, rows2,
        rows3, zb, acc, semg0, semg1, semg2, semg3, sems0, sems1, sems2,
        sems3):
    c = lax.axis_index("c")
    s = lax.axis_index("s")

    pltpu.sync_copy(eix_hbm.at[0, pl.ds(s * _NCHUNK, _NCHUNK)], srcb)
    pltpu.sync_copy(eix_hbm.at[1, pl.ds(s * _NCHUNK, _NCHUNK)], dstb)

    def _fill(i, carry):
        for j in range(_HD // 32):
            zb[i, pl.ds(j * 32, 32)] = jnp.zeros((32,), jnp.bfloat16)
        return carry

    lax.fori_loop(0, _ZR, _fill, 0)

    def _zero(k, carry):
        pltpu.sync_copy(zb, acc.at[pl.ds(s * _RPT + k * _ZR, _ZR)])
        return carry

    lax.fori_loop(0, _RPT // _ZR, _zero, 0)
    plsc.subcore_barrier()

    _NBUF = 4
    _KQ = _NCHUNK // _NBUF
    bufs = (rows0, rows1, rows2, rows3)
    gsems = (semg0, semg1, semg2, semg3)
    ssems = (sems0, sems1, sems2, sems3)
    for b in range(_NBUF - 1):
        pltpu.async_copy(hp_hbm.at[c].at[srcb.at[b]], bufs[b], gsems[b])

    def _ring(k, carry):
        for b in range(_NBUF):
            g = _NBUF * k + b
            bp = (b + _NBUF - 1) % _NBUF
            pltpu.make_async_copy(hp_hbm.at[c].at[srcb.at[g]], bufs[b],
                                  gsems[b]).wait()
            pltpu.async_copy(bufs[b], acc.at[dstb.at[g]], ssems[b], add=True)

            def _drain(bp=bp):
                pltpu.make_async_copy(bufs[bp], acc.at[dstb.at[0]],
                                      ssems[bp]).wait()

            def _prefetch(g=g, bp=bp):
                pltpu.async_copy(hp_hbm.at[c].at[srcb.at[g + _NBUF - 1]],
                                 bufs[bp], gsems[bp])

            if b == 0:
                @pl.when(k > 0)
                def _():
                    _drain()
                _prefetch()
            else:
                _drain()

                @pl.when(k < _KQ - 1)
                def _():
                    _prefetch()
        return carry

    lax.fori_loop(0, _KQ, _ring, 0)
    pltpu.make_async_copy(bufs[3], acc.at[dstb.at[0]], ssems[3]).wait()
    plsc.subcore_barrier()
    pltpu.sync_copy(acc.at[pl.ds(s * _RPT, _RPT)],
                    out_hbm.at[c, pl.ds(s * _RPT, _RPT)])


def _mm_body(x_ref, w_ref, h_ref):
    h_ref[...] = jnp.dot(x_ref[...], w_ref[...],
                         preferred_element_type=jnp.float32)


def _mm_call(x, W1):
    return pl.pallas_call(
        _mm_body,
        grid=(_NBLK,),
        in_specs=[
            pl.BlockSpec((_R, _D), lambda i: (i, 0)),
            pl.BlockSpec((_D, _H), lambda i: (0, 0)),
        ],
        out_specs=pl.BlockSpec((_R, _H), lambda i: (i, 0)),
        out_shape=jax.ShapeDtypeStruct((_N, _H), jnp.float32),
    )(x, W1)


def _prep_body(h_ref, degp_ref, hp_ref, dinv_ref):
    deg = degp_ref[0, :, 0:1] + degp_ref[1, :, 0:1] + 1.0
    dinv = lax.rsqrt(deg)
    hp = (h_ref[...] * dinv).astype(jnp.bfloat16)
    hp_ref[0] = hp[:, 0:_HD]
    hp_ref[1] = hp[:, _HD:_H]
    dinv_ref[...] = dinv


def _prep_call(h1, degp):
    return pl.pallas_call(
        _prep_body,
        grid=(_NBLK,),
        in_specs=[
            pl.BlockSpec((_R, _H), lambda i: (i, 0)),
            pl.BlockSpec((_NSC, _R, 16), lambda i: (0, i, 0)),
        ],
        out_specs=[
            pl.BlockSpec((_NSC, _R, _HD), lambda i: (0, i, 0)),
            pl.BlockSpec((_R, 1), lambda i: (i, 0)),
        ],
        out_shape=[
            jax.ShapeDtypeStruct((_NSC, _NPH, _HD), jnp.bfloat16),
            jax.ShapeDtypeStruct((_N, 1), jnp.float32),
        ],
    )(h1, degp)


def _mid_body(acc_ref, hp_ref, dinv_ref, b_ref, w_ref, out_ref):
    t = jnp.concatenate(
        [acc_ref[0].astype(jnp.float32) + hp_ref[0].astype(jnp.float32),
         acc_ref[1].astype(jnp.float32) + hp_ref[1].astype(jnp.float32)],
        axis=1)
    o = jnp.maximum(t * dinv_ref[...] + b_ref[...], 0.0)
    h2 = jnp.dot(o, w_ref[...], preferred_element_type=jnp.float32)
    hp2 = (h2 * dinv_ref[...]).astype(jnp.bfloat16)
    out_ref[0] = hp2[:, 0:_HD]
    out_ref[1] = hp2[:, _HD:_H]


def _mid_call(acc, hp1, dinv, b1, W2):
    return pl.pallas_call(
        _mid_body,
        grid=(_NBLK,),
        in_specs=[
            pl.BlockSpec((_NSC, _R, _HD), lambda i: (0, i, 0)),
            pl.BlockSpec((_NSC, _R, _HD), lambda i: (0, i, 0)),
            pl.BlockSpec((_R, 1), lambda i: (i, 0)),
            pl.BlockSpec((1, _H), lambda i: (0, 0)),
            pl.BlockSpec((_H, _H), lambda i: (0, 0)),
        ],
        out_specs=pl.BlockSpec((_NSC, _R, _HD), lambda i: (0, i, 0)),
        out_shape=jax.ShapeDtypeStruct((_NSC, _NPH, _HD), jnp.bfloat16),
    )(acc, hp1, dinv, b1, W2)


def _final_body(acc_ref, hp_ref, dinv_ref, b_ref, batch_ref, wc1_ref,
                bc1_ref, wc2_ref, bc2_ref, out_ref, pooled, counts):
    i = pl.program_id(0)

    @pl.when(i == 0)
    def _():
        pooled[...] = jnp.zeros_like(pooled)
        counts[...] = jnp.zeros_like(counts)

    t = jnp.concatenate(
        [acc_ref[0].astype(jnp.float32) + hp_ref[0].astype(jnp.float32),
         acc_ref[1].astype(jnp.float32) + hp_ref[1].astype(jnp.float32)],
        axis=1)
    o = jnp.maximum(t * dinv_ref[...] + b_ref[...], 0.0)
    gids = lax.broadcasted_iota(jnp.int32, (_R, _G), 1)
    mask = (batch_ref[...] == gids).astype(jnp.float32)
    dn = (((0,), (0,)), ((), ()))
    pooled[...] += lax.dot_general(mask, o, dn,
                                   preferred_element_type=jnp.float32)
    counts[...] += lax.dot_general(mask, jnp.ones((_R, 1), jnp.float32), dn,
                                   preferred_element_type=jnp.float32)

    @pl.when(i == pl.num_programs(0) - 1)
    def _():
        pm = pooled[...] / jnp.maximum(counts[...], 1.0)
        z = jnp.maximum(
            jnp.dot(pm, wc1_ref[...], preferred_element_type=jnp.float32)
            + bc1_ref[...], 0.0)
        out_ref[...] = (jnp.dot(z, wc2_ref[...],
                                preferred_element_type=jnp.float32)
                        + bc2_ref[...])


def _final_call(acc, hp2, dinv, b2, batch2, Wc1, bc1, Wc2, bc2):
    return pl.pallas_call(
        _final_body,
        grid=(_NBLK,),
        in_specs=[
            pl.BlockSpec((_NSC, _R, _HD), lambda i: (0, i, 0)),
            pl.BlockSpec((_NSC, _R, _HD), lambda i: (0, i, 0)),
            pl.BlockSpec((_R, 1), lambda i: (i, 0)),
            pl.BlockSpec((1, _H), lambda i: (0, 0)),
            pl.BlockSpec((_R, 1), lambda i: (i, 0)),
            pl.BlockSpec((_H, _FH), lambda i: (0, 0)),
            pl.BlockSpec((1, _FH), lambda i: (0, 0)),
            pl.BlockSpec((_FH, _C), lambda i: (0, 0)),
            pl.BlockSpec((1, _C), lambda i: (0, 0)),
        ],
        out_specs=pl.BlockSpec((_G, _C), lambda i: (0, 0)),
        out_shape=jax.ShapeDtypeStruct((_G, _C), jnp.float32),
        scratch_shapes=[
            pltpu.VMEM((_G, _H), jnp.float32),
            pltpu.VMEM((_G, 1), jnp.float32),
        ],
    )(acc, hp2, dinv, b2, batch2, Wc1, bc1, Wc2, bc2)


def kernel(x, edge_index, batch, W1, b1, W2, b2, Wc1, bc1, Wc2, bc2):
    pad_i = jnp.arange(_EPAD, dtype=jnp.int32)
    pad = jnp.stack([pad_i % _N,
                     _N + pad_i % (_NP - _N)])
    eix = jnp.concatenate([edge_index, pad], axis=1).reshape(2, _EROWS, _CH)

    degp = _deg(eix)
    h1 = _mm_call(x, W1)
    hp1, dinv = _prep_call(h1, degp)
    acc1 = _mp(hp1, eix)
    hp2 = _mid_call(acc1, hp1, dinv, b1.reshape(1, _H), W2)
    acc2 = _mp(hp2, eix)
    return _final_call(acc2, hp2, dinv, b2.reshape(1, _H),
                       batch.reshape(_N, 1), Wc1, bc1.reshape(1, _FH),
                       Wc2, bc2.reshape(1, _C))

# --- scband reference (transcript-rebuilt; emitter-appended) ---
"""Pipeline reference for scband-node2-vec-graph-classifier-35588099015135 (READ-ONLY COPY).

The authoritative reference and input builder live on the scoring server;
editing this copy changes nothing except your own understanding.
"""

import jax, jax.numpy as jnp
import numpy as np

N = 10000       # n_nodes
E = 320000      # n_edges
D = 128         # NODE2VEC_DIM
H = 128         # GNN_HIDDEN_DIM
FH = 256        # FUSION_HIDDEN_DIM
C = 5           # NUM_CLASSES
G = 64          # number of graphs in batch


def setup_inputs(seed: int = 0) -> dict:
    key = jax.random.key(seed)
    ks = jax.random.split(key, 12)
    x = jax.random.normal(ks[0], (N, D), dtype=jnp.float32)
    edge_index = jax.random.randint(ks[1], (2, E), 0, N, dtype=jnp.int32)
    batch = jnp.sort(jax.random.randint(ks[2], (N,), 0, G, dtype=jnp.int32))
    W1 = jax.random.normal(ks[3], (D, H), dtype=jnp.float32) * 0.05
    b1 = jnp.zeros((H,), dtype=jnp.float32)
    W2 = jax.random.normal(ks[4], (H, H), dtype=jnp.float32) * 0.05
    b2 = jnp.zeros((H,), dtype=jnp.float32)
    Wc1 = jax.random.normal(ks[5], (H, FH), dtype=jnp.float32) * 0.05
    bc1 = jnp.zeros((FH,), dtype=jnp.float32)
    Wc2 = jax.random.normal(ks[6], (FH, C), dtype=jnp.float32) * 0.05
    bc2 = jnp.zeros((C,), dtype=jnp.float32)
    return {"x": x, "edge_index": edge_index, "batch": batch,
            "W1": W1, "b1": b1, "W2": W2, "b2": b2,
            "Wc1": Wc1, "bc1": bc1, "Wc2": Wc2, "bc2": bc2}


def _gcn_conv(x, src, dst, W, b, n_nodes):
    # GCNConv with self-loops and symmetric normalization:
    # out = D^{-1/2} (A + I) D^{-1/2} X W + b
    loop = jnp.arange(n_nodes, dtype=src.dtype)
    s = jnp.concatenate([src, loop])
    d = jnp.concatenate([dst, loop])
    deg = jnp.zeros((n_nodes,), dtype=x.dtype).at[d].add(1.0)
    dinv = jnp.where(deg > 0, 1.0 / jnp.sqrt(deg), 0.0)
    norm = dinv[s] * dinv[d]
    h = x @ W
    msg = h[s] * norm[:, None]            # gather (SparseCore)
    out = jnp.zeros((n_nodes, h.shape[1]), dtype=x.dtype).at[d].add(msg)  # scatter-add
    return out + b


def reference(x, edge_index, batch, W1, b1, W2, b2, Wc1, bc1, Wc2, bc2):
    src, dst = edge_index[0], edge_index[1]
    h = jax.nn.relu(_gcn_conv(x, src, dst, W1, b1, N))
    h = jax.nn.relu(_gcn_conv(h, src, dst, W2, b2, N))
    # global_mean_pool over batch segment ids
    counts = jnp.zeros((G,), dtype=h.dtype).at[batch].add(1.0)
    summed = jnp.zeros((G, h.shape[1]), dtype=h.dtype).at[batch].add(h)
    pooled = summed / jnp.clip(counts, 1.0)[:, None]
    # classifier (dropout is identity in eval mode)
    z = jax.nn.relu(pooled @ Wc1 + bc1)
    out = z @ Wc2 + bc2
    return out

if __name__ == "__main__":
    import jax
    _d = setup_inputs()
    print(jax.jit(kernel)(*tuple(_d.values())))

</pallas_src>

<mosaic_0001>
#map = affine_map<(d0, d1) -> (0, 0, 0)>
module attributes {stable_mosaic.version = 14 : i64} {
  func.func @_mp(%arg0: i32, %arg1: i32, %arg2: memref<2x10016x64xbf16, #tpu.memory_space<hbm>>, %arg3: memref<2x2560x128xi32, #tpu.memory_space<hbm>>, %arg4: memref<2x10240x64xbf16, #tpu.memory_space<hbm>>, %arg5: memref<160x128xi32, #tpu.memory_space<vmem>>, %arg6: memref<160x128xi32, #tpu.memory_space<vmem>>, %arg7: memref<128x64xbf16, #tpu.memory_space<vmem>>, %arg8: memref<128x64xbf16, #tpu.memory_space<vmem>>, %arg9: memref<128x64xbf16, #tpu.memory_space<vmem>>, %arg10: memref<128x64xbf16, #tpu.memory_space<vmem>>, %arg11: memref<128x64xbf16, #tpu.memory_space<vmem>>, %arg12: memref<10240x64xbf16, #tpu.memory_space<vmem_shared>>, %arg13: memref<!tpu.dma_semaphore, #tpu.memory_space<semaphore_mem>>, %arg14: memref<!tpu.dma_semaphore, #tpu.memory_space<semaphore_mem>>, %arg15: memref<!tpu.dma_semaphore, #tpu.memory_space<semaphore_mem>>, %arg16: memref<!tpu.dma_semaphore, #tpu.memory_space<semaphore_mem>>, %arg17: memref<!tpu.dma_semaphore, #tpu.memory_space<semaphore_mem>>, %arg18: memref<!tpu.dma_semaphore, #tpu.memory_space<semaphore_mem>>, %arg19: memref<!tpu.dma_semaphore, #tpu.memory_space<semaphore_mem>>, %arg20: memref<!tpu.dma_semaphore, #tpu.memory_space<semaphore_mem>>) attributes {dimension_semantics = [#tpu.dimension_semantics<core_parallel>, #tpu.dimension_semantics<subcore_parallel>], iteration_bounds = array<i64: 2, 16>, scalar_prefetch = 0 : i64, scratch_operands = 16 : i64, tpu.core_type = #tpu.core_type<sc_vector_subcore>, window_params = [{transform_indices = #map}, {transform_indices = #map}, {transform_indices = #map}]} {
    %mul3A = arith.constant 160 : i32
    %mul3A_0 = arith.muli %arg1, %mul3A : i32
    %run_scoped3A = arith.constant 0 : i32
    "tpu.region"() ({
      %run_scoped3A_64 = tpu.sem_alloc : memref<!tpu.dma_semaphore, #tpu.memory_space<semaphore_mem>>
      %dma_start3A_65 = arith.constant 0 : i32
      %dma_start3A_66 = tpu.memref_slice %arg3[%run_scoped3A, %mul3A_0, %dma_start3A_65] : memref<2x2560x128xi32, #tpu.memory_space<hbm>> -> memref<1x160x128xi32, #tpu.memory_space<hbm>>
      %dma_start3A_67 = tpu.memref_squeeze %dma_start3A_66 : memref<1x160x128xi32, #tpu.memory_space<hbm>> -> memref<160x128xi32, #tpu.memory_space<hbm>>
      %dma_start3A_68 = arith.constant 0 : i32
      %dma_start3A_69 = tpu.memref_slice %arg3[%run_scoped3A, %mul3A_0, %dma_start3A_68] : memref<2x2560x128xi32, #tpu.memory_space<hbm>> -> memref<1x160x128xi32, #tpu.memory_space<hbm>>
      %dma_start3A_70 = tpu.memref_squeeze %dma_start3A_69 : memref<1x160x128xi32, #tpu.memory_space<hbm>> -> memref<160x128xi32, #tpu.memory_space<hbm>>
      tpu.enqueue_dma source(%dma_start3A_70 : memref<160x128xi32, #tpu.memory_space<hbm>>) target(%arg5 : memref<160x128xi32, #tpu.memory_space<vmem>>) target_semaphore(%run_scoped3A_64 : memref<!tpu.dma_semaphore, #tpu.memory_space<semaphore_mem>>)
      %dma_wait3A_71 = arith.constant 0 : i32
      %dma_wait3A_72 = tpu.memref_slice %arg3[%run_scoped3A, %mul3A_0, %dma_wait3A_71] : memref<2x2560x128xi32, #tpu.memory_space<hbm>> -> memref<1x160x128xi32, #tpu.memory_space<hbm>>
      %dma_wait3A_73 = tpu.memref_squeeze %dma_wait3A_72 : memref<1x160x128xi32, #tpu.memory_space<hbm>> -> memref<160x128xi32, #tpu.memory_space<hbm>>
      %dma_wait3A_74 = arith.constant 0 : i32
      %dma_wait3A_75 = tpu.memref_slice %arg3[%run_scoped3A, %mul3A_0, %dma_wait3A_74] : memref<2x2560x128xi32, #tpu.memory_space<hbm>> -> memref<1x160x128xi32, #tpu.memory_space<hbm>>
      %dma_wait3A_76 = tpu.memref_squeeze %dma_wait3A_75 : memref<1x160x128xi32, #tpu.memory_space<hbm>> -> memref<160x128xi32, #tpu.memory_space<hbm>>
      tpu.wait_dma2 semaphore(%run_scoped3A_64 : memref<!tpu.dma_semaphore, #tpu.memory_space<semaphore_mem>>) src(%dma_wait3A_76 : memref<160x128xi32, #tpu.memory_space<hbm>>) dst(%arg5 : memref<160x128xi32, #tpu.memory_space<vmem>>)
      tpu.yield
    }) : () -> ()
    %mul3A_1 = arith.constant 160 : i32
    %mul3A_2 = arith.muli %arg1, %mul3A_1 : i32
    %run_scoped3A_3 = arith.constant 1 : i32
    "tpu.region"() ({
      %run_scoped3A_64 = tpu.sem_alloc : memref<!tpu.dma_semaphore, #tpu.memory_space<semaphore_mem>>
      %dma_start3A_65 = arith.constant 0 : i32
      %dma_start3A_66 = tpu.memref_slice %arg3[%run_scoped3A_3, %mul3A_2, %dma_start3A_65] : memref<2x2560x128xi32, #tpu.memory_space<hbm>> -> memref<1x160x128xi32, #tpu.memory_space<hbm>>
      %dma_start3A_67 = tpu.memref_squeeze %dma_start3A_66 : memref<1x160x128xi32, #tpu.memory_space<hbm>> -> memref<160x128xi32, #tpu.memory_space<hbm>>
      %dma_start3A_68 = arith.constant 0 : i32
      %dma_start3A_69 = tpu.memref_slice %arg3[%run_scoped3A_3, %mul3A_2, %dma_start3A_68] : memref<2x2560x128xi32, #tpu.memory_space<hbm>> -> memref<1x160x128xi32, #tpu.memory_space<hbm>>
      %dma_start3A_70 = tpu.memref_squeeze %dma_start3A_69 : memref<1x160x128xi32, #tpu.memory_space<hbm>> -> memref<160x128xi32, #tpu.memory_space<hbm>>
      tpu.enqueue_dma source(%dma_start3A_70 : memref<160x128xi32, #tpu.memory_space<hbm>>) target(%arg6 : memref<160x128xi32, #tpu.memory_space<vmem>>) target_semaphore(%run_scoped3A_64 : memref<!tpu.dma_semaphore, #tpu.memory_space<semaphore_mem>>)
      %dma_wait3A_71 = arith.constant 0 : i32
      %dma_wait3A_72 = tpu.memref_slice %arg3[%run_scoped3A_3, %mul3A_2, %dma_wait3A_71] : memref<2x2560x128xi32, #tpu.memory_space<hbm>> -> memref<1x160x128xi32, #tpu.memory_space<hbm>>
      %dma_wait3A_73 = tpu.memref_squeeze %dma_wait3A_72 : memref<1x160x128xi32, #tpu.memory_space<hbm>> -> memref<160x128xi32, #tpu.memory_space<hbm>>
      %dma_wait3A_74 = arith.constant 0 : i32
      %dma_wait3A_75 = tpu.memref_slice %arg3[%run_scoped3A_3, %mul3A_2, %dma_wait3A_74] : memref<2x2560x128xi32, #tpu.memory_space<hbm>> -> memref<1x160x128xi32, #tpu.memory_space<hbm>>
      %dma_wait3A_76 = tpu.memref_squeeze %dma_wait3A_75 : memref<1x160x128xi32, #tpu.memory_space<hbm>> -> memref<160x128xi32, #tpu.memory_space<hbm>>
      tpu.wait_dma2 semaphore(%run_scoped3A_64 : memref<!tpu.dma_semaphore, #tpu.memory_space<semaphore_mem>>) src(%dma_wait3A_76 : memref<160x128xi32, #tpu.memory_space<hbm>>) dst(%arg6 : memref<160x128xi32, #tpu.memory_space<vmem>>)
      tpu.yield
    }) : () -> ()
    %scan3A = arith.constant 0 : i32
    %scan3A_4 = arith.constant 0 : i32
    %scan3A_5 = arith.constant 128 : i32
    %scan3A_6 = arith.addi %scan3A_4, %scan3A_5 : i32
    %scan3A_7 = arith.constant 1 : i32
    scf.for %scan3A_64 = %scan3A_4 to %scan3A_6 step %scan3A_7  : i32 {
      %broadcast_in_dim3A = arith.constant 0.000000e+00 : bf16
      %broadcast_in_dim3A_65 = vector.broadcast %broadcast_in_dim3A : bf16 to vector<32xbf16>
      %swap3A = arith.index_cast %scan3A_64 : i32 to index
      %swap3A_66 = arith.constant 0 : index
      %swap3A_67 = tpu.vector_load %arg11[%swap3A, %swap3A_66] {strides = array<i32>} : memref<128x64xbf16, #tpu.memory_space<vmem>>, vector<1x32xbf16>,
      %swap3A_68 = vector.shape_cast %swap3A_67 : vector<1x32xbf16> to vector<32xbf16>
      %swap3A_69 = vector.shape_cast %broadcast_in_dim3A_65 : vector<32xbf16> to vector<1x32xbf16>
      tpu.vector_store %arg11[%swap3A, %swap3A_66], %swap3A_69 {strides = array<i32>} : memref<128x64xbf16, #tpu.memory_space<vmem>>, vector<1x32xbf16>,
      %broadcast_in_dim3A_70 = arith.constant 0.000000e+00 : bf16
      %broadcast_in_dim3A_71 = vector.broadcast %broadcast_in_dim3A_70 : bf16 to vector<32xbf16>
      %swap3A_72 = arith.index_cast %scan3A_64 : i32 to index
      %swap3A_73 = arith.constant 32 : index
      %swap3A_74 = tpu.vector_load %arg11[%swap3A_72, %swap3A_73] {strides = array<i32>} : memref<128x64xbf16, #tpu.memory_space<vmem>>, vector<1x32xbf16>,
      %swap3A_75 = vector.shape_cast %swap3A_74 : vector<1x32xbf16> to vector<32xbf16>
      %swap3A_76 = vector.shape_cast %broadcast_in_dim3A_71 : vector<32xbf16> to vector<1x32xbf16>
      tpu.vector_store %arg11[%swap3A_72, %swap3A_73], %swap3A_76 {strides = array<i32>} : memref<128x64xbf16, #tpu.memory_space<vmem>>, vector<1x32xbf16>,
    }
    %scan3A_8 = arith.constant 128 : i32
    %scan3A_9 = arith.constant 0 : i32
    %scan3A_10 = arith.constant 0 : i32
    %scan3A_11 = arith.constant 5 : i32
    %scan3A_12 = arith.addi %scan3A_10, %scan3A_11 : i32
    %scan3A_13 = arith.constant 1 : i32
    scf.for %scan3A_64 = %scan3A_10 to %scan3A_12 step %scan3A_13  : i32 {
      %mul3A_65 = arith.constant 640 : i32
      %mul3A_66 = arith.muli %arg1, %mul3A_65 : i32
      %mul3A_67 = arith.constant 128 : i32
      %mul3A_68 = arith.muli %scan3A_64, %mul3A_67 : i32
      %add3A = arith.addi %mul3A_66, %mul3A_68 : i32
      "tpu.region"() ({
        %run_scoped3A_69 = tpu.sem_alloc : memref<!tpu.dma_semaphore, #tpu.memory_space<semaphore_mem>>
        %dma_start3A_70 = arith.constant 0 : i32
        %dma_start3A_71 = tpu.memref_slice %arg12[%add3A, %dma_start3A_70] : memref<10240x64xbf16, #tpu.memory_space<vmem_shared>> -> memref<128x64xbf16, #tpu.memory_space<vmem_shared>>
        %dma_start3A_72 = arith.constant 0 : i32
        %dma_start3A_73 = tpu.memref_slice %arg12[%add3A, %dma_start3A_72] : memref<10240x64xbf16, #tpu.memory_space<vmem_shared>> -> memref<128x64xbf16, #tpu.memory_space<vmem_shared>>
        tpu.enqueue_dma source(%arg11 : memref<128x64xbf16, #tpu.memory_space<vmem>>) target(%dma_start3A_73 : memref<128x64xbf16, #tpu.memory_space<vmem_shared>>) target_semaphore(%run_scoped3A_69 : memref<!tpu.dma_semaphore, #tpu.memory_space<semaphore_mem>>)
        %dma_wait3A_74 = arith.constant 0 : i32
        %dma_wait3A_75 = tpu.memref_slice %arg12[%add3A, %dma_wait3A_74] : memref<10240x64xbf16, #tpu.memory_space<vmem_shared>> -> memref<128x64xbf16, #tpu.memory_space<vmem_shared>>
        %dma_wait3A_76 = arith.constant 0 : i32
        %dma_wait3A_77 = tpu.memref_slice %arg12[%add3A, %dma_wait3A_76] : memref<10240x64xbf16, #tpu.memory_space<vmem_shared>> -> memref<128x64xbf16, #tpu.memory_space<vmem_shared>>
        tpu.wait_dma2 semaphore(%run_scoped3A_69 : memref<!tpu.dma_semaphore, #tpu.memory_space<semaphore_mem>>) src(%arg11 : memref<128x64xbf16, #tpu.memory_space<vmem>>) dst(%dma_wait3A_77 : memref<128x64xbf16, #tpu.memory_space<vmem_shared>>)
        tpu.yield
      }) : () -> ()
    }
    %scan3A_14 = arith.constant 5 : i32
    %barrier3A = arith.constant 0 : index
    tpu.barrier barrier_id(%barrier3A)
    %dma_start3A = arith.constant 0 : i32
    %dma_start3A_15 = arith.constant 0 : i32
    %dma_start3A_16 = tpu.memref_slice %arg5[%dma_start3A, %dma_start3A_15] : memref<160x128xi32, #tpu.memory_space<vmem>> -> memref<1x128xi32, #tpu.memory_space<vmem>>
    %dma_start3A_17 = tpu.memref_squeeze %dma_start3A_16 : memref<1x128xi32, #tpu.memory_space<vmem>> -> memref<128xi32, #tpu.memory_space<vmem>>
    %dma_start3A_18 = arith.constant 0 : i32
    %dma_start3A_19 = arith.constant 0 : i32
    %dma_start3A_20 = tpu.memref_slice %arg2[%arg0, %dma_start3A_18, %dma_start3A_19] : memref<2x10016x64xbf16, #tpu.memory_space<hbm>> -> memref<1x10016x64xbf16, #tpu.memory_space<hbm>>
    %dma_start3A_21 = tpu.memref_squeeze %dma_start3A_20 : memref<1x10016x64xbf16, #tpu.memory_space<hbm>> -> memref<10016x64xbf16, #tpu.memory_space<hbm>>
    %dma_start3A_22 = arith.constant 0 : i32
    %dma_start3A_23 = arith.constant 0 : i32
    %dma_start3A_24 = tpu.memref_slice %dma_start3A_21[%dma_start3A_22, %dma_start3A_23] : memref<10016x64xbf16, #tpu.memory_space<hbm>> -> memref<10016x64xbf16, #tpu.memory_space<hbm>>
    tpu.enqueue_indirect_dma source(%dma_start3A_24 : memref<10016x64xbf16, #tpu.memory_space<hbm>>) target(%arg7 : memref<128x64xbf16, #tpu.memory_space<vmem>>) offsets(%dma_start3A_17 : memref<128xi32, #tpu.memory_space<vmem>>) semaphore(%arg13 : memref<!tpu.dma_semaphore, #tpu.memory_space<semaphore_mem>>)
    %dma_start3A_25 = arith.constant 1 : i32
    %dma_start3A_26 = arith.constant 0 : i32
    %dma_start3A_27 = tpu.memref_slice %arg5[%dma_start3A_25, %dma_start3A_26] : memref<160x128xi32, #tpu.memory_space<vmem>> -> memref<1x128xi32, #tpu.memory_space<vmem>>
    %dma_start3A_28 = tpu.memref_squeeze %dma_start3A_27 : memref<1x128xi32, #tpu.memory_space<vmem>> -> memref<128xi32, #tpu.memory_space<vmem>>
    %dma_start3A_29 = arith.constant 0 : i32
    %dma_start3A_30 = arith.constant 0 : i32
    %dma_start3A_31 = tpu.memref_slice %arg2[%arg0, %dma_start3A_29, %dma_start3A_30] : memref<2x10016x64xbf16, #tpu.memory_space<hbm>> -> memref<1x10016x64xbf16, #tpu.memory_space<hbm>>
    %dma_start3A_32 = tpu.memref_squeeze %dma_start3A_31 : memref<1x10016x64xbf16, #tpu.memory_space<hbm>> -> memref<10016x64xbf16, #tpu.memory_space<hbm>>
    %dma_start3A_33 = arith.constant 0 : i32
    %dma_start3A_34 = arith.constant 0 : i32
    %dma_start3A_35 = tpu.memref_slice %dma_start3A_32[%dma_start3A_33, %dma_start3A_34] : memref<10016x64xbf16, #tpu.memory_space<hbm>> -> memref<10016x64xbf16, #tpu.memory_space<hbm>>
    tpu.enqueue_indirect_dma source(%dma_start3A_35 : memref<10016x64xbf16, #tpu.memory_space<hbm>>) target(%arg8 : memref<128x64xbf16, #tpu.memory_space<vmem>>) offsets(%dma_start3A_28 : memref<128xi32, #tpu.memory_space<vmem>>) semaphore(%arg14 : memref<!tpu.dma_semaphore, #tpu.memory_space<semaphore_mem>>)
    %dma_start3A_36 = arith.constant 2 : i32
    %dma_start3A_37 = arith.constant 0 : i32
    %dma_start3A_38 = tpu.memref_slice %arg5[%dma_start3A_36, %dma_start3A_37] : memref<160x128xi32, #tpu.memory_space<vmem>> -> memref<1x128xi32, #tpu.memory_space<vmem>>
    %dma_start3A_39 = tpu.memref_squeeze %dma_start3A_38 : memref<1x128xi32, #tpu.memory_space<vmem>> -> memref<128xi32, #tpu.memory_space<vmem>>
    %dma_start3A_40 = arith.constant 0 : i32
    %dma_start3A_41 = arith.constant 0 : i32
    %dma_start3A_42 = tpu.memref_slice %arg2[%arg0, %dma_start3A_40, %dma_start3A_41] : memref<2x10016x64xbf16, #tpu.memory_space<hbm>> -> memref<1x10016x64xbf16, #tpu.memory_space<hbm>>
    %dma_start3A_43 = tpu.memref_squeeze %dma_start3A_42 : memref<1x10016x64xbf16, #tpu.memory_space<hbm>> -> memref<10016x64xbf16, #tpu.memory_space<hbm>>
    %dma_start3A_44 = arith.constant 0 : i32
    %dma_start3A_45 = arith.constant 0 : i32
    %dma_start3A_46 = tpu.memref_slice %dma_start3A_43[%dma_start3A_44, %dma_start3A_45] : memref<10016x64xbf16, #tpu.memory_space<hbm>> -> memref<10016x64xbf16, #tpu.memory_space<hbm>>
    tpu.enqueue_indirect_dma source(%dma_start3A_46 : memref<10016x64xbf16, #tpu.memory_space<hbm>>) target(%arg9 : memref<128x64xbf16, #tpu.memory_space<vmem>>) offsets(%dma_start3A_39 : memref<128xi32, #tpu.memory_space<vmem>>) semaphore(%arg15 : memref<!tpu.dma_semaphore, #tpu.memory_space<semaphore_mem>>)
    %scan3A_47 = arith.constant 0 : i32
    %scan3A_48 = arith.constant 0 : i32
    %scan3A_49 = arith.constant 40 : i32
    %scan3A_50 = arith.addi %scan3A_48, %scan3A_49 : i32
    %scan3A_51 = arith.constant 1 : i32
    scf.for %scan3A_64 = %scan3A_48 to %scan3A_50 step %scan3A_51  : i32 {
      %mul3A_65 = arith.constant 4 : i32
      %mul3A_66 = arith.muli %mul3A_65, %scan3A_64 : i32
      %add3A = arith.constant 0 : i32
      %add3A_67 = arith.addi %mul3A_66, %add3A : i32
      %dma_wait3A_68 = arith.constant 0 : i32
      %dma_wait3A_69 = tpu.memref_slice %arg5[%add3A_67, %dma_wait3A_68] : memref<160x128xi32, #tpu.memory_space<vmem>> -> memref<1x128xi32, #tpu.memory_space<vmem>>
      %dma_wait3A_70 = tpu.memref_squeeze %dma_wait3A_69 : memref<1x128xi32, #tpu.memory_space<vmem>> -> memref<128xi32, #tpu.memory_space<vmem>>
      %dma_wait3A_71 = arith.constant 0 : i32
      %dma_wait3A_72 = arith.constant 0 : i32
      %dma_wait3A_73 = tpu.memref_slice %arg2[%arg0, %dma_wait3A_71, %dma_wait3A_72] : memref<2x10016x64xbf16, #tpu.memory_space<hbm>> -> memref<1x10016x64xbf16, #tpu.memory_space<hbm>>
      %dma_wait3A_74 = tpu.memref_squeeze %dma_wait3A_73 : memref<1x10016x64xbf16, #tpu.memory_space<hbm>> -> memref<10016x64xbf16, #tpu.memory_space<hbm>>
      %dma_wait3A_75 = arith.constant 0 : i32
      %dma_wait3A_76 = arith.constant 0 : i32
      %dma_wait3A_77 = tpu.memref_slice %dma_wait3A_74[%dma_wait3A_75, %dma_wait3A_76] : memref<10016x64xbf16, #tpu.memory_space<hbm>> -> memref<10016x64xbf16, #tpu.memory_space<hbm>>
      tpu.wait_indirect_dma semaphore(%arg13 : memref<!tpu.dma_semaphore, #tpu.memory_space<semaphore_mem>>) src(%dma_wait3A_77 : memref<10016x64xbf16, #tpu.memory_space<hbm>>) dst(%arg7 : memref<128x64xbf16, #tpu.memory_space<vmem>>)
      %dma_start3A_78 = arith.constant 0 : i32
      %dma_start3A_79 = tpu.memref_slice %arg6[%add3A_67, %dma_start3A_78] : memref<160x128xi32, #tpu.memory_space<vmem>> -> memref<1x128xi32, #tpu.memory_space<vmem>>
      %dma_start3A_80 = tpu.memref_squeeze %dma_start3A_79 : memref<1x128xi32, #tpu.memory_space<vmem>> -> memref<128xi32, #tpu.memory_space<vmem>>
      %dma_start3A_81 = arith.constant 0 : i32
      %dma_start3A_82 = arith.constant 0 : i32
      %dma_start3A_83 = tpu.memref_slice %arg12[%dma_start3A_81, %dma_start3A_82] : memref<10240x64xbf16, #tpu.memory_space<vmem_shared>> -> memref<10240x64xbf16, #tpu.memory_space<vmem_shared>>
      tpu.enqueue_indirect_dma source(%arg7 : memref<128x64xbf16, #tpu.memory_space<vmem>>) target(%dma_start3A_83 : memref<10240x64xbf16, #tpu.memory_space<vmem_shared>>) offsets(%dma_start3A_80 : memref<128xi32, #tpu.memory_space<vmem>>) semaphore(%arg17 : memref<!tpu.dma_semaphore, #tpu.memory_space<semaphore_mem>>) {add = true}
      %gt3A = arith.constant 0 : i32
      %gt3A_84 = arith.cmpi sgt, %scan3A_64, %gt3A : i32
      %convert_element_type3A = arith.extui %gt3A_84 : i1 to i32
      %cond3A = arith.constant 0 : i32
      %cond3A_85 = arith.cmpi ne, %convert_element_type3A, %cond3A : i32
      scf.if %cond3A_85 {
        %dma_wait3A_194 = arith.constant 0 : i32
        %dma_wait3A_195 = arith.constant 0 : i32
        %dma_wait3A_196 = tpu.memref_slice %arg6[%dma_wait3A_194, %dma_wait3A_195] : memref<160x128xi32, #tpu.memory_space<vmem>> -> memref<1x128xi32, #tpu.memory_space<vmem>>
        %dma_wait3A_197 = tpu.memref_squeeze %dma_wait3A_196 : memref<1x128xi32, #tpu.memory_space<vmem>> -> memref<128xi32, #tpu.memory_space<vmem>>
        %dma_wait3A_198 = arith.constant 0 : i32
        %dma_wait3A_199 = arith.constant 0 : i32
        %dma_wait3A_200 = tpu.memref_slice %arg12[%dma_wait3A_198, %dma_wait3A_199] : memref<10240x64xbf16, #tpu.memory_space<vmem_shared>> -> memref<10240x64xbf16, #tpu.memory_space<vmem_shared>>
        tpu.wait_indirect_dma semaphore(%arg20 : memref<!tpu.dma_semaphore, #tpu.memory_space<semaphore_mem>>) src(%arg10 : memref<128x64xbf16, #tpu.memory_space<vmem>>) dst(%dma_wait3A_200 : memref<10240x64xbf16, #tpu.memory_space<vmem_shared>>)
      } else {
      }
      %add3A_86 = arith.constant 4 : i32
      %add3A_87 = arith.addi %add3A_67, %add3A_86 : i32
      %sub3A = arith.constant 1 : i32
      %sub3A_88 = arith.subi %add3A_87, %sub3A : i32
      %dma_start3A_89 = arith.constant 0 : i32
      %dma_start3A_90 = tpu.memref_slice %arg5[%sub3A_88, %dma_start3A_89] : memref<160x128xi32, #tpu.memory_space<vmem>> -> memref<1x128xi32, #tpu.memory_space<vmem>>
      %dma_start3A_91 = tpu.memref_squeeze %dma_start3A_90 : memref<1x128xi32, #tpu.memory_space<vmem>> -> memref<128xi32, #tpu.memory_space<vmem>>
      %dma_start3A_92 = arith.constant 0 : i32
      %dma_start3A_93 = arith.constant 0 : i32
      %dma_start3A_94 = tpu.memref_slice %arg2[%arg0, %dma_start3A_92, %dma_start3A_93] : memref<2x10016x64xbf16, #tpu.memory_space<hbm>> -> memref<1x10016x64xbf16, #tpu.memory_space<hbm>>
      %dma_start3A_95 = tpu.memref_squeeze %dma_start3A_94 : memref<1x10016x64xbf16, #tpu.memory_space<hbm>> -> memref<10016x64xbf16, #tpu.memory_space<hbm>>
      %dma_start3A_96 = arith.constant 0 : i32
      %dma_start3A_97 = arith.constant 0 : i32
      %dma_start3A_98 = tpu.memref_slice %dma_start3A_95[%dma_start3A_96, %dma_start3A_97] : memref<10016x64xbf16, #tpu.memory_space<hbm>> -> memref<10016x64xbf16, #tpu.memory_space<hbm>>
      tpu.enqueue_indirect_dma source(%dma_start3A_98 : memref<10016x64xbf16, #tpu.memory_space<hbm>>) target(%arg10 : memref<128x64xbf16, #tpu.memory_space<vmem>>) offsets(%dma_start3A_91 : memref<128xi32, #tpu.memory_space<vmem>>) semaphore(%arg16 : memref<!tpu.dma_semaphore, #tpu.memory_space<semaphore_mem>>)
      %mul3A_99 = arith.constant 4 : i32
      %mul3A_100 = arith.muli %mul3A_99, %scan3A_64 : i32
      %add3A_101 = arith.constant 1 : i32
      %add3A_102 = arith.addi %mul3A_100, %add3A_101 : i32
      %dma_wait3A_103 = arith.constant 0 : i32
      %dma_wait3A_104 = tpu.memref_slice %arg5[%add3A_102, %dma_wait3A_103] : memref<160x128xi32, #tpu.memory_space<vmem>> -> memref<1x128xi32, #tpu.memory_space<vmem>>
      %dma_wait3A_105 = tpu.memref_squeeze %dma_wait3A_104 : memref<1x128xi32, #tpu.memory_space<vmem>> -> memref<128xi32, #tpu.memory_space<vmem>>
      %dma_wait3A_106 = arith.constant 0 : i32
      %dma_wait3A_107 = arith.constant 0 : i32
      %dma_wait3A_108 = tpu.memref_slice %arg2[%arg0, %dma_wait3A_106, %dma_wait3A_107] : memref<2x10016x64xbf16, #tpu.memory_space<hbm>> -> memref<1x10016x64xbf16, #tpu.memory_space<hbm>>
      %dma_wait3A_109 = tpu.memref_squeeze %dma_wait3A_108 : memref<1x10016x64xbf16, #tpu.memory_space<hbm>> -> memref<10016x64xbf16, #tpu.memory_space<hbm>>
      %dma_wait3A_110 = arith.constant 0 : i32
      %dma_wait3A_111 = arith.constant 0 : i32
      %dma_wait3A_112 = tpu.memref_slice %dma_wait3A_109[%dma_wait3A_110, %dma_wait3A_111] : memref<10016x64xbf16, #tpu.memory_space<hbm>> -> memref<10016x64xbf16, #tpu.memory_space<hbm>>
      tpu.wait_indirect_dma semaphore(%arg14 : memref<!tpu.dma_semaphore, #tpu.memory_space<semaphore_mem>>) src(%dma_wait3A_112 : memref<10016x64xbf16, #tpu.memory_space<hbm>>) dst(%arg8 : memref<128x64xbf16, #tpu.memory_space<vmem>>)
      %dma_start3A_113 = arith.constant 0 : i32
      %dma_start3A_114 = tpu.memref_slice %arg6[%add3A_102, %dma_start3A_113] : memref<160x128xi32, #tpu.memory_space<vmem>> -> memref<1x128xi32, #tpu.memory_space<vmem>>
      %dma_start3A_115 = tpu.memref_squeeze %dma_start3A_114 : memref<1x128xi32, #tpu.memory_space<vmem>> -> memref<128xi32, #tpu.memory_space<vmem>>
      %dma_start3A_116 = arith.constant 0 : i32
      %dma_start3A_117 = arith.constant 0 : i32
      %dma_start3A_118 = tpu.memref_slice %arg12[%dma_start3A_116, %dma_start3A_117] : memref<10240x64xbf16, #tpu.memory_space<vmem_shared>> -> memref<10240x64xbf16, #tpu.memory_space<vmem_shared>>
      tpu.enqueue_indirect_dma source(%arg8 : memref<128x64xbf16, #tpu.memory_space<vmem>>) target(%dma_start3A_118 : memref<10240x64xbf16, #tpu.memory_space<vmem_shared>>) offsets(%dma_start3A_115 : memref<128xi32, #tpu.memory_space<vmem>>) semaphore(%arg18 : memref<!tpu.dma_semaphore, #tpu.memory_space<semaphore_mem>>) {add = true}
      %dma_wait3A_119 = arith.constant 0 : i32
      %dma_wait3A_120 = arith.constant 0 : i32
      %dma_wait3A_121 = tpu.memref_slice %arg6[%dma_wait3A_119, %dma_wait3A_120] : memref<160x128xi32, #tpu.memory_space<vmem>> -> memref<1x128xi32, #tpu.memory_space<vmem>>
      %dma_wait3A_122 = tpu.memref_squeeze %dma_wait3A_121 : memref<1x128xi32, #tpu.memory_space<vmem>> -> memref<128xi32, #tpu.memory_space<vmem>>
      %dma_wait3A_123 = arith.constant 0 : i32
      %dma_wait3A_124 = arith.constant 0 : i32
      %dma_wait3A_125 = tpu.memref_slice %arg12[%dma_wait3A_123, %dma_wait3A_124] : memref<10240x64xbf16, #tpu.memory_space<vmem_shared>> -> memref<10240x64xbf16, #tpu.memory_space<vmem_shared>>
      tpu.wait_indirect_dma semaphore(%arg17 : memref<!tpu.dma_semaphore, #tpu.memory_space<semaphore_mem>>) src(%arg7 : memref<128x64xbf16, #tpu.memory_space<vmem>>) dst(%dma_wait3A_125 : memref<10240x64xbf16, #tpu.memory_space<vmem_shared>>)
      %lt3A = arith.constant 39 : i32
      %lt3A_126 = arith.cmpi slt, %scan3A_64, %lt3A : i32
      %convert_element_type3A_127 = arith.extui %lt3A_126 : i1 to i32
      %cond3A_128 = arith.constant 0 : i32
      %cond3A_129 = arith.cmpi ne, %convert_element_type3A_127, %cond3A_128 : i32
      scf.if %cond3A_129 {
        %add3A_194 = arith.constant 4 : i32
        %add3A_195 = arith.addi %add3A_102, %add3A_194 : i32
        %sub3A_196 = arith.constant 1 : i32
        %sub3A_197 = arith.subi %add3A_195, %sub3A_196 : i32
        %dma_start3A_198 = arith.constant 0 : i32
        %dma_start3A_199 = tpu.memref_slice %arg5[%sub3A_197, %dma_start3A_198] : memref<160x128xi32, #tpu.memory_space<vmem>> -> memref<1x128xi32, #tpu.memory_space<vmem>>
        %dma_start3A_200 = tpu.memref_squeeze %dma_start3A_199 : memref<1x128xi32, #tpu.memory_space<vmem>> -> memref<128xi32, #tpu.memory_space<vmem>>
        %dma_start3A_201 = arith.constant 0 : i32
        %dma_start3A_202 = arith.constant 0 : i32
        %dma_start3A_203 = tpu.memref_slice %arg2[%arg0, %dma_start3A_201, %dma_start3A_202] : memref<2x10016x64xbf16, #tpu.memory_space<hbm>> -> memref<1x10016x64xbf16, #tpu.memory_space<hbm>>
        %dma_start3A_204 = tpu.memref_squeeze %dma_start3A_203 : memref<1x10016x64xbf16, #tpu.memory_space<hbm>> -> memref<10016x64xbf16, #tpu.memory_space<hbm>>
        %dma_start3A_205 = arith.constant 0 : i32
        %dma_start3A_206 = arith.constant 0 : i32
        %dma_start3A_207 = tpu.memref_slice %dma_start3A_204[%dma_start3A_205, %dma_start3A_206] : memref<10016x64xbf16, #tpu.memory_space<hbm>> -> memref<10016x64xbf16, #tpu.memory_space<hbm>>
        tpu.enqueue_indirect_dma source(%dma_start3A_207 : memref<10016x64xbf16, #tpu.memory_space<hbm>>) target(%arg7 : memref<128x64xbf16, #tpu.memory_space<vmem>>) offsets(%dma_start3A_200 : memref<128xi32, #tpu.memory_space<vmem>>) semaphore(%arg13 : memref<!tpu.dma_semaphore, #tpu.memory_space<semaphore_mem>>)
      } else {
      }
      %mul3A_130 = arith.constant 4 : i32
      %mul3A_131 = arith.muli %mul3A_130, %scan3A_64 : i32
      %add3A_132 = arith.constant 2 : i32
      %add3A_133 = arith.addi %mul3A_131, %add3A_132 : i32
      %dma_wait3A_134 = arith.constant 0 : i32
      %dma_wait3A_135 = tpu.memref_slice %arg5[%add3A_133, %dma_wait3A_134] : memref<160x128xi32, #tpu.memory_space<vmem>> -> memref<1x128xi32, #tpu.memory_space<vmem>>
      %dma_wait3A_136 = tpu.memref_squeeze %dma_wait3A_135 : memref<1x128xi32, #tpu.memory_space<vmem>> -> memref<128xi32, #tpu.memory_space<vmem>>
      %dma_wait3A_137 = arith.constant 0 : i32
      %dma_wait3A_138 = arith.constant 0 : i32
      %dma_wait3A_139 = tpu.memref_slice %arg2[%arg0, %dma_wait3A_137, %dma_wait3A_138] : memref<2x10016x64xbf16, #tpu.memory_space<hbm>> -> memref<1x10016x64xbf16, #tpu.memory_space<hbm>>
      %dma_wait3A_140 = tpu.memref_squeeze %dma_wait3A_139 : memref<1x10016x64xbf16, #tpu.memory_space<hbm>> -> memref<10016x64xbf16, #tpu.memory_space<hbm>>
      %dma_wait3A_141 = arith.constant 0 : i32
      %dma_wait3A_142 = arith.constant 0 : i32
      %dma_wait3A_143 = tpu.memref_slice %dma_wait3A_140[%dma_wait3A_141, %dma_wait3A_142] : memref<10016x64xbf16, #tpu.memory_space<hbm>> -> memref<10016x64xbf16, #tpu.memory_space<hbm>>
      tpu.wait_indirect_dma semaphore(%arg15 : memref<!tpu.dma_semaphore, #tpu.memory_space<semaphore_mem>>) src(%dma_wait3A_143 : memref<10016x64xbf16, #tpu.memory_space<hbm>>) dst(%arg9 : memref<128x64xbf16, #tpu.memory_space<vmem>>)
      %dma_start3A_144 = arith.constant 0 : i32
      %dma_start3A_145 = tpu.memref_slice %arg6[%add3A_133, %dma_start3A_144] : memref<160x128xi32, #tpu.memory_space<vmem>> -> memref<1x128xi32, #tpu.memory_space<vmem>>
      %dma_start3A_146 = tpu.memref_squeeze %dma_start3A_145 : memref<1x128xi32, #tpu.memory_space<vmem>> -> memref<128xi32, #tpu.memory_space<vmem>>
      %dma_start3A_147 = arith.constant 0 : i32
      %dma_start3A_148 = arith.constant 0 : i32
      %dma_start3A_149 = tpu.memref_slice %arg12[%dma_start3A_147, %dma_start3A_148] : memref<10240x64xbf16, #tpu.memory_space<vmem_shared>> -> memref<10240x64xbf16, #tpu.memory_space<vmem_shared>>
      tpu.enqueue_indirect_dma source(%arg9 : memref<128x64xbf16, #tpu.memory_space<vmem>>) target(%dma_start3A_149 : memref<10240x64xbf16, #tpu.memory_space<vmem_shared>>) offsets(%dma_start3A_146 : memref<128xi32, #tpu.memory_space<vmem>>) semaphore(%arg19 : memref<!tpu.dma_semaphore, #tpu.memory_space<semaphore_mem>>) {add = true}
      %dma_wait3A_150 = arith.constant 0 : i32
      %dma_wait3A_151 = arith.constant 0 : i32
      %dma_wait3A_152 = tpu.memref_slice %arg6[%dma_wait3A_150, %dma_wait3A_151] : memref<160x128xi32, #tpu.memory_space<vmem>> -> memref<1x128xi32, #tpu.memory_space<vmem>>
      %dma_wait3A_153 = tpu.memref_squeeze %dma_wait3A_152 : memref<1x128xi32, #tpu.memory_space<vmem>> -> memref<128xi32, #tpu.memory_space<vmem>>
      %dma_wait3A_154 = arith.constant 0 : i32
      %dma_wait3A_155 = arith.constant 0 : i32
      %dma_wait3A_156 = tpu.memref_slice %arg12[%dma_wait3A_154, %dma_wait3A_155] : memref<10240x64xbf16, #tpu.memory_space<vmem_shared>> -> memref<10240x64xbf16, #tpu.memory_space<vmem_shared>>
      tpu.wait_indirect_dma semaphore(%arg18 : memref<!tpu.dma_semaphore, #tpu.memory_space<semaphore_mem>>) src(%arg8 : memref<128x64xbf16, #tpu.memory_space<vmem>>) dst(%dma_wait3A_156 : memref<10240x64xbf16, #tpu.memory_space<vmem_shared>>)
      %lt3A_157 = arith.constant 39 : i32
      %lt3A_158 = arith.cmpi slt, %scan3A_64, %lt3A_157 : i32
      %convert_element_type3A_159 = arith.extui %lt3A_158 : i1 to i32
      %cond3A_160 = arith.constant 0 : i32
      %cond3A_161 = arith.cmpi ne, %convert_element_type3A_159, %cond3A_160 : i32
      scf.if %cond3A_161 {
        %add3A_194 = arith.constant 4 : i32
        %add3A_195 = arith.addi %add3A_133, %add3A_194 : i32
        %sub3A_196 = arith.constant 1 : i32
        %sub3A_197 = arith.subi %add3A_195, %sub3A_196 : i32
        %dma_start3A_198 = arith.constant 0 : i32
        %dma_start3A_199 = tpu.memref_slice %arg5[%sub3A_197, %dma_start3A_198] : memref<160x128xi32, #tpu.memory_space<vmem>> -> memref<1x128xi32, #tpu.memory_space<vmem>>
        %dma_start3A_200 = tpu.memref_squeeze %dma_start3A_199 : memref<1x128xi32, #tpu.memory_space<vmem>> -> memref<128xi32, #tpu.memory_space<vmem>>
        %dma_start3A_201 = arith.constant 0 : i32
        %dma_start3A_202 = arith.constant 0 : i32
        %dma_start3A_203 = tpu.memref_slice %arg2[%arg0, %dma_start3A_201, %dma_start3A_202] : memref<2x10016x64xbf16, #tpu.memory_space<hbm>> -> memref<1x10016x64xbf16, #tpu.memory_space<hbm>>
        %dma_start3A_204 = tpu.memref_squeeze %dma_start3A_203 : memref<1x10016x64xbf16, #tpu.memory_space<hbm>> -> memref<10016x64xbf16, #tpu.memory_space<hbm>>
        %dma_start3A_205 = arith.constant 0 : i32
        %dma_start3A_206 = arith.constant 0 : i32
        %dma_start3A_207 = tpu.memref_slice %dma_start3A_204[%dma_start3A_205, %dma_start3A_206] : memref<10016x64xbf16, #tpu.memory_space<hbm>> -> memref<10016x64xbf16, #tpu.memory_space<hbm>>
        tpu.enqueue_indirect_dma source(%dma_start3A_207 : memref<10016x64xbf16, #tpu.memory_space<hbm>>) target(%arg8 : memref<128x64xbf16, #tpu.memory_space<vmem>>) offsets(%dma_start3A_200 : memref<128xi32, #tpu.memory_space<vmem>>) semaphore(%arg14 : memref<!tpu.dma_semaphore, #tpu.memory_space<semaphore_mem>>)
      } else {
      }
      %mul3A_162 = arith.constant 4 : i32
      %mul3A_163 = arith.muli %mul3A_162, %scan3A_64 : i32
      %add3A_164 = arith.constant 3 : i32
      %add3A_165 = arith.addi %mul3A_163, %add3A_164 : i32
      %dma_wait3A_166 = arith.constant 0 : i32
      %dma_wait3A_167 = tpu.memref_slice %arg5[%add3A_165, %dma_wait3A_166] : memref<160x128xi32, #tpu.memory_space<vmem>> -> memref<1x128xi32, #tpu.memory_space<vmem>>
      %dma_wait3A_168 = tpu.memref_squeeze %dma_wait3A_167 : memref<1x128xi32, #tpu.memory_space<vmem>> -> memref<128xi32, #tpu.memory_space<vmem>>
      %dma_wait3A_169 = arith.constant 0 : i32
      %dma_wait3A_170 = arith.constant 0 : i32
      %dma_wait3A_171 = tpu.memref_slice %arg2[%arg0, %dma_wait3A_169, %dma_wait3A_170] : memref<2x10016x64xbf16, #tpu.memory_space<hbm>> -> memref<1x10016x64xbf16, #tpu.memory_space<hbm>>
      %dma_wait3A_172 = tpu.memref_squeeze %dma_wait3A_171 : memref<1x10016x64xbf16, #tpu.memory_space<hbm>> -> memref<10016x64xbf16, #tpu.memory_space<hbm>>
      %dma_wait3A_173 = arith.constant 0 : i32
      %dma_wait3A_174 = arith.constant 0 : i32
      %dma_wait3A_175 = tpu.memref_slice %dma_wait3A_172[%dma_wait3A_173, %dma_wait3A_174] : memref<10016x64xbf16, #tpu.memory_space<hbm>> -> memref<10016x64xbf16, #tpu.memory_space<hbm>>
      tpu.wait_indirect_dma semaphore(%arg16 : memref<!tpu.dma_semaphore, #tpu.memory_space<semaphore_mem>>) src(%dma_wait3A_175 : memref<10016x64xbf16, #tpu.memory_space<hbm>>) dst(%arg10 : memref<128x64xbf16, #tpu.memory_space<vmem>>)
      %dma_start3A_176 = arith.constant 0 : i32
      %dma_start3A_177 = tpu.memref_slice %arg6[%add3A_165, %dma_start3A_176] : memref<160x128xi32, #tpu.memory_space<vmem>> -> memref<1x128xi32, #tpu.memory_space<vmem>>
      %dma_start3A_178 = tpu.memref_squeeze %dma_start3A_177 : memref<1x128xi32, #tpu.memory_space<vmem>> -> memref<128xi32, #tpu.memory_space<vmem>>
      %dma_start3A_179 = arith.constant 0 : i32
      %dma_start3A_180 = arith.constant 0 : i32
      %dma_start3A_181 = tpu.memref_slice %arg12[%dma_start3A_179, %dma_start3A_180] : memref<10240x64xbf16, #tpu.memory_space<vmem_shared>> -> memref<10240x64xbf16, #tpu.memory_space<vmem_shared>>
      tpu.enqueue_indirect_dma source(%arg10 : memref<128x64xbf16, #tpu.memory_space<vmem>>) target(%dma_start3A_181 : memref<10240x64xbf16, #tpu.memory_space<vmem_shared>>) offsets(%dma_start3A_178 : memref<128xi32, #tpu.memory_space<vmem>>) semaphore(%arg20 : memref<!tpu.dma_semaphore, #tpu.memory_space<semaphore_mem>>) {add = true}
      %dma_wait3A_182 = arith.constant 0 : i32
      %dma_wait3A_183 = arith.constant 0 : i32
      %dma_wait3A_184 = tpu.memref_slice %arg6[%dma_wait3A_182, %dma_wait3A_183] : memref<160x128xi32, #tpu.memory_space<vmem>> -> memref<1x128xi32, #tpu.memory_space<vmem>>
      %dma_wait3A_185 = tpu.memref_squeeze %dma_wait3A_184 : memref<1x128xi32, #tpu.memory_space<vmem>> -> memref<128xi32, #tpu.memory_space<vmem>>
      %dma_wait3A_186 = arith.constant 0 : i32
      %dma_wait3A_187 = arith.constant 0 : i32
      %dma_wait3A_188 = tpu.memref_slice %arg12[%dma_wait3A_186, %dma_wait3A_187] : memref<10240x64xbf16, #tpu.memory_space<vmem_shared>> -> memref<10240x64xbf16, #tpu.memory_space<vmem_shared>>
      tpu.wait_indirect_dma semaphore(%arg19 : memref<!tpu.dma_semaphore, #tpu.memory_space<semaphore_mem>>) src(%arg9 : memref<128x64xbf16, #tpu.memory_space<vmem>>) dst(%dma_wait3A_188 : memref<10240x64xbf16, #tpu.memory_space<vmem_shared>>)
      %lt3A_189 = arith.constant 39 : i32
      %lt3A_190 = arith.cmpi slt, %scan3A_64, %lt3A_189 : i32
      %convert_element_type3A_191 = arith.extui %lt3A_190 : i1 to i32
      %cond3A_192 = arith.constant 0 : i32
      %cond3A_193 = arith.cmpi ne, %convert_element_type3A_191, %cond3A_192 : i32
      scf.if %cond3A_193 {
        %add3A_194 = arith.constant 4 : i32
        %add3A_195 = arith.addi %add3A_165, %add3A_194 : i32
        %sub3A_196 = arith.constant 1 : i32
        %sub3A_197 = arith.subi %add3A_195, %sub3A_196 : i32
        %dma_start3A_198 = arith.constant 0 : i32
        %dma_start3A_199 = tpu.memref_slice %arg5[%sub3A_197, %dma_start3A_198] : memref<160x128xi32, #tpu.memory_space<vmem>> -> memref<1x128xi32, #tpu.memory_space<vmem>>
        %dma_start3A_200 = tpu.memref_squeeze %dma_start3A_199 : memref<1x128xi32, #tpu.memory_space<vmem>> -> memref<128xi32, #tpu.memory_space<vmem>>
        %dma_start3A_201 = arith.constant 0 : i32
        %dma_start3A_202 = arith.constant 0 : i32
        %dma_start3A_203 = tpu.memref_slice %arg2[%arg0, %dma_start3A_201, %dma_start3A_202] : memref<2x10016x64xbf16, #tpu.memory_space<hbm>> -> memref<1x10016x64xbf16, #tpu.memory_space<hbm>>
        %dma_start3A_204 = tpu.memref_squeeze %dma_start3A_203 : memref<1x10016x64xbf16, #tpu.memory_space<hbm>> -> memref<10016x64xbf16, #tpu.memory_space<hbm>>
        %dma_start3A_205 = arith.constant 0 : i32
        %dma_start3A_206 = arith.constant 0 : i32
        %dma_start3A_207 = tpu.memref_slice %dma_start3A_204[%dma_start3A_205, %dma_start3A_206] : memref<10016x64xbf16, #tpu.memory_space<hbm>> -> memref<10016x64xbf16, #tpu.memory_space<hbm>>
        tpu.enqueue_indirect_dma source(%dma_start3A_207 : memref<10016x64xbf16, #tpu.memory_space<hbm>>) target(%arg9 : memref<128x64xbf16, #tpu.memory_space<vmem>>) offsets(%dma_start3A_200 : memref<128xi32, #tpu.memory_space<vmem>>) semaphore(%arg15 : memref<!tpu.dma_semaphore, #tpu.memory_space<semaphore_mem>>)
      } else {
      }
    }
    %scan3A_52 = arith.constant 40 : i32
    %dma_wait3A = arith.constant 0 : i32
    %dma_wait3A_53 = arith.constant 0 : i32
    %dma_wait3A_54 = tpu.memref_slice %arg6[%dma_wait3A, %dma_wait3A_53] : memref<160x128xi32, #tpu.memory_space<vmem>> -> memref<1x128xi32, #tpu.memory_space<vmem>>
    %dma_wait3A_55 = tpu.memref_squeeze %dma_wait3A_54 : memref<1x128xi32, #tpu.memory_space<vmem>> -> memref<128xi32, #tpu.memory_space<vmem>>
    %dma_wait3A_56 = arith.constant 0 : i32
    %dma_wait3A_57 = arith.constant 0 : i32
    %dma_wait3A_58 = tpu.memref_slice %arg12[%dma_wait3A_56, %dma_wait3A_57] : memref<10240x64xbf16, #tpu.memory_space<vmem_shared>> -> memref<10240x64xbf16, #tpu.memory_space<vmem_shared>>
    tpu.wait_indirect_dma semaphore(%arg20 : memref<!tpu.dma_semaphore, #tpu.memory_space<semaphore_mem>>) src(%arg10 : memref<128x64xbf16, #tpu.memory_space<vmem>>) dst(%dma_wait3A_58 : memref<10240x64xbf16, #tpu.memory_space<vmem_shared>>)
    %barrier3A_59 = arith.constant 0 : index
    tpu.barrier barrier_id(%barrier3A_59)
    %mul3A_60 = arith.constant 640 : i32
    %mul3A_61 = arith.muli %arg1, %mul3A_60 : i32
    %mul3A_62 = arith.constant 640 : i32
    %mul3A_63 = arith.muli %arg1, %mul3A_62 : i32
    "tpu.region"() ({
      %run_scoped3A_64 = tpu.sem_alloc : memref<!tpu.dma_semaphore, #tpu.memory_space<semaphore_mem>>
      %dma_start3A_65 = arith.constant 0 : i32
      %dma_start3A_66 = tpu.memref_slice %arg4[%arg0, %mul3A_63, %dma_start3A_65] : memref<2x10240x64xbf16, #tpu.memory_space<hbm>> -> memref<1x640x64xbf16, #tpu.memory_space<hbm>>
      %dma_start3A_67 = tpu.memref_squeeze %dma_start3A_66 : memref<1x640x64xbf16, #tpu.memory_space<hbm>> -> memref<640x64xbf16, #tpu.memory_space<hbm>>
      %dma_start3A_68 = arith.constant 0 : i32
      %dma_start3A_69 = tpu.memref_slice %arg12[%mul3A_61, %dma_start3A_68] : memref<10240x64xbf16, #tpu.memory_space<vmem_shared>> -> memref<640x64xbf16, #tpu.memory_space<vmem_shared>>
      tpu.enqueue_dma source(%dma_start3A_69 : memref<640x64xbf16, #tpu.memory_space<vmem_shared>>) target(%dma_start3A_67 : memref<640x64xbf16, #tpu.memory_space<hbm>>) target_semaphore(%run_scoped3A_64 : memref<!tpu.dma_semaphore, #tpu.memory_space<semaphore_mem>>)
      %dma_wait3A_70 = arith.constant 0 : i32
      %dma_wait3A_71 = tpu.memref_slice %arg4[%arg0, %mul3A_63, %dma_wait3A_70] : memref<2x10240x64xbf16, #tpu.memory_space<hbm>> -> memref<1x640x64xbf16, #tpu.memory_space<hbm>>
      %dma_wait3A_72 = tpu.memref_squeeze %dma_wait3A_71 : memref<1x640x64xbf16, #tpu.memory_space<hbm>> -> memref<640x64xbf16, #tpu.memory_space<hbm>>
      %dma_wait3A_73 = arith.constant 0 : i32
      %dma_wait3A_74 = tpu.memref_slice %arg12[%mul3A_61, %dma_wait3A_73] : memref<10240x64xbf16, #tpu.memory_space<vmem_shared>> -> memref<640x64xbf16, #tpu.memory_space<vmem_shared>>
      tpu.wait_dma2 semaphore(%run_scoped3A_64 : memref<!tpu.dma_semaphore, #tpu.memory_space<semaphore_mem>>) src(%dma_wait3A_74 : memref<640x64xbf16, #tpu.memory_space<vmem_shared>>) dst(%dma_wait3A_72 : memref<640x64xbf16, #tpu.memory_space<hbm>>)
      tpu.yield
    }) : () -> ()
    return
  }
}

#map = affine_map<(d0, d1) -> (0, 0, 0)>
module attributes {stable_mosaic.version = 14 : i64} {
  func.func @_deg(%arg0: i32, %arg1: i32, %arg2: memref<2x2560x128xi32, #tpu.memory_space<hbm>>, %arg3: memref<2x10240x16xf32, #tpu.memory_space<hbm>>, %arg4: memref<80x128xi32, #tpu.memory_space<vmem>>, %arg5: memref<128x16xf32, #tpu.memory_space<vmem>>, %arg6: memref<128x16xf32, #tpu.memory_space<vmem>>, %arg7: memref<10240x16xf32, #tpu.memory_space<vmem_shared>>) attributes {dimension_semantics = [#tpu.dimension_semantics<core_parallel>, #tpu.dimension_semantics<subcore_parallel>], iteration_bounds = array<i64: 2, 16>, scalar_prefetch = 0 : i64, scratch_operands = 4 : i64, tpu.core_type = #tpu.core_type<sc_vector_subcore>, window_params = [{transform_indices = #map}, {transform_indices = #map}]} {
    %mul3A = arith.constant 16 : i32
    %mul3A_0 = arith.muli %arg0, %mul3A : i32
    %add3A = arith.addi %mul3A_0, %arg1 : i32
    %mul3A_1 = arith.constant 80 : i32
    %mul3A_2 = arith.muli %add3A, %mul3A_1 : i32
    %run_scoped3A = arith.constant 1 : i32
    "tpu.region"() ({
      %run_scoped3A_25 = tpu.sem_alloc : memref<!tpu.dma_semaphore, #tpu.memory_space<semaphore_mem>>
      %dma_start3A = arith.constant 0 : i32
      %dma_start3A_26 = tpu.memref_slice %arg2[%run_scoped3A, %mul3A_2, %dma_start3A] : memref<2x2560x128xi32, #tpu.memory_space<hbm>> -> memref<1x80x128xi32, #tpu.memory_space<hbm>>
      %dma_start3A_27 = tpu.memref_squeeze %dma_start3A_26 : memref<1x80x128xi32, #tpu.memory_space<hbm>> -> memref<80x128xi32, #tpu.memory_space<hbm>>
      %dma_start3A_28 = arith.constant 0 : i32
      %dma_start3A_29 = tpu.memref_slice %arg2[%run_scoped3A, %mul3A_2, %dma_start3A_28] : memref<2x2560x128xi32, #tpu.memory_space<hbm>> -> memref<1x80x128xi32, #tpu.memory_space<hbm>>
      %dma_start3A_30 = tpu.memref_squeeze %dma_start3A_29 : memref<1x80x128xi32, #tpu.memory_space<hbm>> -> memref<80x128xi32, #tpu.memory_space<hbm>>
      tpu.enqueue_dma source(%dma_start3A_30 : memref<80x128xi32, #tpu.memory_space<hbm>>) target(%arg4 : memref<80x128xi32, #tpu.memory_space<vmem>>) target_semaphore(%run_scoped3A_25 : memref<!tpu.dma_semaphore, #tpu.memory_space<semaphore_mem>>)
      %dma_wait3A = arith.constant 0 : i32
      %dma_wait3A_31 = tpu.memref_slice %arg2[%run_scoped3A, %mul3A_2, %dma_wait3A] : memref<2x2560x128xi32, #tpu.memory_space<hbm>> -> memref<1x80x128xi32, #tpu.memory_space<hbm>>
      %dma_wait3A_32 = tpu.memref_squeeze %dma_wait3A_31 : memref<1x80x128xi32, #tpu.memory_space<hbm>> -> memref<80x128xi32, #tpu.memory_space<hbm>>
      %dma_wait3A_33 = arith.constant 0 : i32
      %dma_wait3A_34 = tpu.memref_slice %arg2[%run_scoped3A, %mul3A_2, %dma_wait3A_33] : memref<2x2560x128xi32, #tpu.memory_space<hbm>> -> memref<1x80x128xi32, #tpu.memory_space<hbm>>
      %dma_wait3A_35 = tpu.memref_squeeze %dma_wait3A_34 : memref<1x80x128xi32, #tpu.memory_space<hbm>> -> memref<80x128xi32, #tpu.memory_space<hbm>>
      tpu.wait_dma2 semaphore(%run_scoped3A_25 : memref<!tpu.dma_semaphore, #tpu.memory_space<semaphore_mem>>) src(%dma_wait3A_35 : memref<80x128xi32, #tpu.memory_space<hbm>>) dst(%arg4 : memref<80x128xi32, #tpu.memory_space<vmem>>)
      tpu.yield
    }) : () -> ()
    %scan3A = arith.constant 0 : i32
    %scan3A_3 = arith.constant 0 : i32
    %scan3A_4 = arith.constant 128 : i32
    %scan3A_5 = arith.addi %scan3A_3, %scan3A_4 : i32
    %scan3A_6 = arith.constant 1 : i32
    scf.for %scan3A_25 = %scan3A_3 to %scan3A_5 step %scan3A_6  : i32 {
      %broadcast_in_dim3A = arith.constant 1.000000e+00 : f32
      %broadcast_in_dim3A_26 = vector.broadcast %broadcast_in_dim3A : f32 to vector<16xf32>
      %swap3A = arith.index_cast %scan3A_25 : i32 to index
      %swap3A_27 = arith.constant 0 : index
      %swap3A_28 = tpu.vector_load %arg5[%swap3A, %swap3A_27] {strides = array<i32>} : memref<128x16xf32, #tpu.memory_space<vmem>>, vector<1x16xf32>,
      %swap3A_29 = vector.shape_cast %swap3A_28 : vector<1x16xf32> to vector<16xf32>
      %swap3A_30 = vector.shape_cast %broadcast_in_dim3A_26 : vector<16xf32> to vector<1x16xf32>
      tpu.vector_store %arg5[%swap3A, %swap3A_27], %swap3A_30 {strides = array<i32>} : memref<128x16xf32, #tpu.memory_space<vmem>>, vector<1x16xf32>,
      %broadcast_in_dim3A_31 = arith.constant 0.000000e+00 : f32
      %broadcast_in_dim3A_32 = vector.broadcast %broadcast_in_dim3A_31 : f32 to vector<16xf32>
      %swap3A_33 = arith.index_cast %scan3A_25 : i32 to index
      %swap3A_34 = arith.constant 0 : index
      %swap3A_35 = tpu.vector_load %arg6[%swap3A_33, %swap3A_34] {strides = array<i32>} : memref<128x16xf32, #tpu.memory_space<vmem>>, vector<1x16xf32>,
      %swap3A_36 = vector.shape_cast %swap3A_35 : vector<1x16xf32> to vector<16xf32>
      %swap3A_37 = vector.shape_cast %broadcast_in_dim3A_32 : vector<16xf32> to vector<1x16xf32>
      tpu.vector_store %arg6[%swap3A_33, %swap3A_34], %swap3A_37 {strides = array<i32>} : memref<128x16xf32, #tpu.memory_space<vmem>>, vector<1x16xf32>,
    }
    %scan3A_7 = arith.constant 128 : i32
    %scan3A_8 = arith.constant 0 : i32
    %scan3A_9 = arith.constant 0 : i32
    %scan3A_10 = arith.constant 5 : i32
    %scan3A_11 = arith.addi %scan3A_9, %scan3A_10 : i32
    %scan3A_12 = arith.constant 1 : i32
    scf.for %scan3A_25 = %scan3A_9 to %scan3A_11 step %scan3A_12  : i32 {
      %mul3A_26 = arith.constant 640 : i32
      %mul3A_27 = arith.muli %arg1, %mul3A_26 : i32
      %mul3A_28 = arith.constant 128 : i32
      %mul3A_29 = arith.muli %scan3A_25, %mul3A_28 : i32
      %add3A_30 = arith.addi %mul3A_27, %mul3A_29 : i32
      "tpu.region"() ({
        %run_scoped3A_31 = tpu.sem_alloc : memref<!tpu.dma_semaphore, #tpu.memory_space<semaphore_mem>>
        %dma_start3A = arith.constant 0 : i32
        %dma_start3A_32 = tpu.memref_slice %arg7[%add3A_30, %dma_start3A] : memref<10240x16xf32, #tpu.memory_space<vmem_shared>> -> memref<128x16xf32, #tpu.memory_space<vmem_shared>>
        %dma_start3A_33 = arith.constant 0 : i32
        %dma_start3A_34 = tpu.memref_slice %arg7[%add3A_30, %dma_start3A_33] : memref<10240x16xf32, #tpu.memory_space<vmem_shared>> -> memref<128x16xf32, #tpu.memory_space<vmem_shared>>
        tpu.enqueue_dma source(%arg6 : memref<128x16xf32, #tpu.memory_space<vmem>>) target(%dma_start3A_34 : memref<128x16xf32, #tpu.memory_space<vmem_shared>>) target_semaphore(%run_scoped3A_31 : memref<!tpu.dma_semaphore, #tpu.memory_space<semaphore_mem>>)
        %dma_wait3A = arith.constant 0 : i32
        %dma_wait3A_35 = tpu.memref_slice %arg7[%add3A_30, %dma_wait3A] : memref<10240x16xf32, #tpu.memory_space<vmem_shared>> -> memref<128x16xf32, #tpu.memory_space<vmem_shared>>
        %dma_wait3A_36 = arith.constant 0 : i32
        %dma_wait3A_37 = tpu.memref_slice %arg7[%add3A_30, %dma_wait3A_36] : memref<10240x16xf32, #tpu.memory_space<vmem_shared>> -> memref<128x16xf32, #tpu.memory_space<vmem_shared>>
        tpu.wait_dma2 semaphore(%run_scoped3A_31 : memref<!tpu.dma_semaphore, #tpu.memory_space<semaphore_mem>>) src(%arg6 : memref<128x16xf32, #tpu.memory_space<vmem>>) dst(%dma_wait3A_37 : memref<128x16xf32, #tpu.memory_space<vmem_shared>>)
        tpu.yield
      }) : () -> ()
    }
    %scan3A_13 = arith.constant 5 : i32
    %barrier3A = arith.constant 0 : index
    tpu.barrier barrier_id(%barrier3A)
    %scan3A_14 = arith.constant 0 : i32
    %scan3A_15 = arith.constant 0 : i32
    %scan3A_16 = arith.constant 80 : i32
    %scan3A_17 = arith.addi %scan3A_15, %scan3A_16 : i32
    %scan3A_18 = arith.constant 1 : i32
    scf.for %scan3A_25 = %scan3A_15 to %scan3A_17 step %scan3A_18  : i32 {
      "tpu.region"() ({
        %run_scoped3A_26 = tpu.sem_alloc : memref<!tpu.dma_semaphore, #tpu.memory_space<semaphore_mem>>
        %dma_start3A = arith.constant 0 : i32
        %dma_start3A_27 = tpu.memref_slice %arg4[%scan3A_25, %dma_start3A] : memref<80x128xi32, #tpu.memory_space<vmem>> -> memref<1x128xi32, #tpu.memory_space<vmem>>
        %dma_start3A_28 = tpu.memref_squeeze %dma_start3A_27 : memref<1x128xi32, #tpu.memory_space<vmem>> -> memref<128xi32, #tpu.memory_space<vmem>>
        %dma_start3A_29 = arith.constant 0 : i32
        %dma_start3A_30 = arith.constant 0 : i32
        %dma_start3A_31 = tpu.memref_slice %arg7[%dma_start3A_29, %dma_start3A_30] : memref<10240x16xf32, #tpu.memory_space<vmem_shared>> -> memref<10240x16xf32, #tpu.memory_space<vmem_shared>>
        tpu.enqueue_indirect_dma source(%arg5 : memref<128x16xf32, #tpu.memory_space<vmem>>) target(%dma_start3A_31 : memref<10240x16xf32, #tpu.memory_space<vmem_shared>>) offsets(%dma_start3A_28 : memref<128xi32, #tpu.memory_space<vmem>>) semaphore(%run_scoped3A_26 : memref<!tpu.dma_semaphore, #tpu.memory_space<semaphore_mem>>) {add = true}
        %dma_wait3A = arith.constant 0 : i32
        %dma_wait3A_32 = tpu.memref_slice %arg4[%scan3A_25, %dma_wait3A] : memref<80x128xi32, #tpu.memory_space<vmem>> -> memref<1x128xi32, #tpu.memory_space<vmem>>
        %dma_wait3A_33 = tpu.memref_squeeze %dma_wait3A_32 : memref<1x128xi32, #tpu.memory_space<vmem>> -> memref<128xi32, #tpu.memory_space<vmem>>
        %dma_wait3A_34 = arith.constant 0 : i32
        %dma_wait3A_35 = arith.constant 0 : i32
        %dma_wait3A_36 = tpu.memref_slice %arg7[%dma_wait3A_34, %dma_wait3A_35] : memref<10240x16xf32, #tpu.memory_space<vmem_shared>> -> memref<10240x16xf32, #tpu.memory_space<vmem_shared>>
        tpu.wait_indirect_dma semaphore(%run_scoped3A_26 : memref<!tpu.dma_semaphore, #tpu.memory_space<semaphore_mem>>) src(%arg5 : memref<128x16xf32, #tpu.memory_space<vmem>>) dst(%dma_wait3A_36 : memref<10240x16xf32, #tpu.memory_space<vmem_shared>>)
        tpu.yield
      }) : () -> ()
    }
    %scan3A_19 = arith.constant 80 : i32
    %barrier3A_20 = arith.constant 0 : index
    tpu.barrier barrier_id(%barrier3A_20)
    %mul3A_21 = arith.constant 640 : i32
    %mul3A_22 = arith.muli %arg1, %mul3A_21 : i32
    %mul3A_23 = arith.constant 640 : i32
    %mul3A_24 = arith.muli %arg1, %mul3A_23 : i32
    "tpu.region"() ({
      %run_scoped3A_25 = tpu.sem_alloc : memref<!tpu.dma_semaphore, #tpu.memory_space<semaphore_mem>>
      %dma_start3A = arith.constant 0 : i32
      %dma_start3A_26 = tpu.memref_slice %arg3[%arg0, %mul3A_24, %dma_start3A] : memref<2x10240x16xf32, #tpu.memory_space<hbm>> -> memref<1x640x16xf32, #tpu.memory_space<hbm>>
      %dma_start3A_27 = tpu.memref_squeeze %dma_start3A_26 : memref<1x640x16xf32, #tpu.memory_space<hbm>> -> memref<640x16xf32, #tpu.memory_space<hbm>>
      %dma_start3A_28 = arith.constant 0 : i32
      %dma_start3A_29 = tpu.memref_slice %arg7[%mul3A_22, %dma_start3A_28] : memref<10240x16xf32, #tpu.memory_space<vmem_shared>> -> memref<640x16xf32, #tpu.memory_space<vmem_shared>>
      tpu.enqueue_dma source(%dma_start3A_29 : memref<640x16xf32, #tpu.memory_space<vmem_shared>>) target(%dma_start3A_27 : memref<640x16xf32, #tpu.memory_space<hbm>>) target_semaphore(%run_scoped3A_25 : memref<!tpu.dma_semaphore, #tpu.memory_space<semaphore_mem>>)
      %dma_wait3A = arith.constant 0 : i32
      %dma_wait3A_30 = tpu.memref_slice %arg3[%arg0, %mul3A_24, %dma_wait3A] : memref<2x10240x16xf32, #tpu.memory_space<hbm>> -> memref<1x640x16xf32, #tpu.memory_space<hbm>>
      %dma_wait3A_31 = tpu.memref_squeeze %dma_wait3A_30 : memref<1x640x16xf32, #tpu.memory_space<hbm>> -> memref<640x16xf32, #tpu.memory_space<hbm>>
      %dma_wait3A_32 = arith.constant 0 : i32
      %dma_wait3A_33 = tpu.memref_slice %arg7[%mul3A_22, %dma_wait3A_32] : memref<10240x16xf32, #tpu.memory_space<vmem_shared>> -> memref<640x16xf32, #tpu.memory_space<vmem_shared>>
      tpu.wait_dma2 semaphore(%run_scoped3A_25 : memref<!tpu.dma_semaphore, #tpu.memory_space<semaphore_mem>>) src(%dma_wait3A_33 : memref<640x16xf32, #tpu.memory_space<vmem_shared>>) dst(%dma_wait3A_31 : memref<640x16xf32, #tpu.memory_space<hbm>>)
      tpu.yield
    }) : () -> ()
    return
  }
}

#map = affine_map<(d0, d1) -> (0, 0, 0)>
module attributes {stable_mosaic.version = 14 : i64} {
  func.func @_mp(%arg0: i32, %arg1: i32, %arg2: memref<2x10016x64xbf16, #tpu.memory_space<hbm>>, %arg3: memref<2x2560x128xi32, #tpu.memory_space<hbm>>, %arg4: memref<2x10240x64xbf16, #tpu.memory_space<hbm>>, %arg5: memref<160x128xi32, #tpu.memory_space<vmem>>, %arg6: memref<160x128xi32, #tpu.memory_space<vmem>>, %arg7: memref<128x64xbf16, #tpu.memory_space<vmem>>, %arg8: memref<128x64xbf16, #tpu.memory_space<vmem>>, %arg9: memref<128x64xbf16, #tpu.memory_space<vmem>>, %arg10: memref<128x64xbf16, #tpu.memory_space<vmem>>, %arg11: memref<128x64xbf16, #tpu.memory_space<vmem>>, %arg12: memref<10240x64xbf16, #tpu.memory_space<vmem_shared>>, %arg13: memref<!tpu.dma_semaphore, #tpu.memory_space<semaphore_mem>>, %arg14: memref<!tpu.dma_semaphore, #tpu.memory_space<semaphore_mem>>, %arg15: memref<!tpu.dma_semaphore, #tpu.memory_space<semaphore_mem>>, %arg16: memref<!tpu.dma_semaphore, #tpu.memory_space<semaphore_mem>>, %arg17: memref<!tpu.dma_semaphore, #tpu.memory_space<semaphore_mem>>, %arg18: memref<!tpu.dma_semaphore, #tpu.memory_space<semaphore_mem>>, %arg19: memref<!tpu.dma_semaphore, #tpu.memory_space<semaphore_mem>>, %arg20: memref<!tpu.dma_semaphore, #tpu.memory_space<semaphore_mem>>) attributes {dimension_semantics = [#tpu.dimension_semantics<core_parallel>, #tpu.dimension_semantics<subcore_parallel>], iteration_bounds = array<i64: 2, 16>, scalar_prefetch = 0 : i64, scratch_operands = 16 : i64, tpu.core_type = #tpu.core_type<sc_vector_subcore>, window_params = [{transform_indices = #map}, {transform_indices = #map}, {transform_indices = #map}]} {
    %mul3A = arith.constant 160 : i32
    %mul3A_0 = arith.muli %arg1, %mul3A : i32
    %run_scoped3A = arith.constant 0 : i32
    "tpu.region"() ({
      %run_scoped3A_64 = tpu.sem_alloc : memref<!tpu.dma_semaphore, #tpu.memory_space<semaphore_mem>>
      %dma_start3A_65 = arith.constant 0 : i32
      %dma_start3A_66 = tpu.memref_slice %arg3[%run_scoped3A, %mul3A_0, %dma_start3A_65] : memref<2x2560x128xi32, #tpu.memory_space<hbm>> -> memref<1x160x128xi32, #tpu.memory_space<hbm>>
      %dma_start3A_67 = tpu.memref_squeeze %dma_start3A_66 : memref<1x160x128xi32, #tpu.memory_space<hbm>> -> memref<160x128xi32, #tpu.memory_space<hbm>>
      %dma_start3A_68 = arith.constant 0 : i32
      %dma_start3A_69 = tpu.memref_slice %arg3[%run_scoped3A, %mul3A_0, %dma_start3A_68] : memref<2x2560x128xi32, #tpu.memory_space<hbm>> -> memref<1x160x128xi32, #tpu.memory_space<hbm>>
      %dma_start3A_70 = tpu.memref_squeeze %dma_start3A_69 : memref<1x160x128xi32, #tpu.memory_space<hbm>> -> memref<160x128xi32, #tpu.memory_space<hbm>>
      tpu.enqueue_dma source(%dma_start3A_70 : memref<160x128xi32, #tpu.memory_space<hbm>>) target(%arg5 : memref<160x128xi32, #tpu.memory_space<vmem>>) target_semaphore(%run_scoped3A_64 : memref<!tpu.dma_semaphore, #tpu.memory_space<semaphore_mem>>)
      %dma_wait3A_71 = arith.constant 0 : i32
      %dma_wait3A_72 = tpu.memref_slice %arg3[%run_scoped3A, %mul3A_0, %dma_wait3A_71] : memref<2x2560x128xi32, #tpu.memory_space<hbm>> -> memref<1x160x128xi32, #tpu.memory_space<hbm>>
      %dma_wait3A_73 = tpu.memref_squeeze %dma_wait3A_72 : memref<1x160x128xi32, #tpu.memory_space<hbm>> -> memref<160x128xi32, #tpu.memory_space<hbm>>
      %dma_wait3A_74 = arith.constant 0 : i32
      %dma_wait3A_75 = tpu.memref_slice %arg3[%run_scoped3A, %mul3A_0, %dma_wait3A_74] : memref<2x2560x128xi32, #tpu.memory_space<hbm>> -> memref<1x160x128xi32, #tpu.memory_space<hbm>>
      %dma_wait3A_76 = tpu.memref_squeeze %dma_wait3A_75 : memref<1x160x128xi32, #tpu.memory_space<hbm>> -> memref<160x128xi32, #tpu.memory_space<hbm>>
      tpu.wait_dma2 semaphore(%run_scoped3A_64 : memref<!tpu.dma_semaphore, #tpu.memory_space<semaphore_mem>>) src(%dma_wait3A_76 : memref<160x128xi32, #tpu.memory_space<hbm>>) dst(%arg5 : memref<160x128xi32, #tpu.memory_space<vmem>>)
      tpu.yield
    }) : () -> ()
    %mul3A_1 = arith.constant 160 : i32
    %mul3A_2 = arith.muli %arg1, %mul3A_1 : i32
    %run_scoped3A_3 = arith.constant 1 : i32
    "tpu.region"() ({
      %run_scoped3A_64 = tpu.sem_alloc : memref<!tpu.dma_semaphore, #tpu.memory_space<semaphore_mem>>
      %dma_start3A_65 = arith.constant 0 : i32
      %dma_start3A_66 = tpu.memref_slice %arg3[%run_scoped3A_3, %mul3A_2, %dma_start3A_65] : memref<2x2560x128xi32, #tpu.memory_space<hbm>> -> memref<1x160x128xi32, #tpu.memory_space<hbm>>
      %dma_start3A_67 = tpu.memref_squeeze %dma_start3A_66 : memref<1x160x128xi32, #tpu.memory_space<hbm>> -> memref<160x128xi32, #tpu.memory_space<hbm>>
      %dma_start3A_68 = arith.constant 0 : i32
      %dma_start3A_69 = tpu.memref_slice %arg3[%run_scoped3A_3, %mul3A_2, %dma_start3A_68] : memref<2x2560x128xi32, #tpu.memory_space<hbm>> -> memref<1x160x128xi32, #tpu.memory_space<hbm>>
      %dma_start3A_70 = tpu.memref_squeeze %dma_start3A_69 : memref<1x160x128xi32, #tpu.memory_space<hbm>> -> memref<160x128xi32, #tpu.memory_space<hbm>>
      tpu.enqueue_dma source(%dma_start3A_70 : memref<160x128xi32, #tpu.memory_space<hbm>>) target(%arg6 : memref<160x128xi32, #tpu.memory_space<vmem>>) target_semaphore(%run_scoped3A_64 : memref<!tpu.dma_semaphore, #tpu.memory_space<semaphore_mem>>)
      %dma_wait3A_71 = arith.constant 0 : i32
      %dma_wait3A_72 = tpu.memref_slice %arg3[%run_scoped3A_3, %mul3A_2, %dma_wait3A_71] : memref<2x2560x128xi32, #tpu.memory_space<hbm>> -> memref<1x160x128xi32, #tpu.memory_space<hbm>>
      %dma_wait3A_73 = tpu.memref_squeeze %dma_wait3A_72 : memref<1x160x128xi32, #tpu.memory_space<hbm>> -> memref<160x128xi32, #tpu.memory_space<hbm>>
      %dma_wait3A_74 = arith.constant 0 : i32
      %dma_wait3A_75 = tpu.memref_slice %arg3[%run_scoped3A_3, %mul3A_2, %dma_wait3A_74] : memref<2x2560x128xi32, #tpu.memory_space<hbm>> -> memref<1x160x128xi32, #tpu.memory_space<hbm>>
      %dma_wait3A_76 = tpu.memref_squeeze %dma_wait3A_75 : memref<1x160x128xi32, #tpu.memory_space<hbm>> -> memref<160x128xi32, #tpu.memory_space<hbm>>
      tpu.wait_dma2 semaphore(%run_scoped3A_64 : memref<!tpu.dma_semaphore, #tpu.memory_space<semaphore_mem>>) src(%dma_wait3A_76 : memref<160x128xi32, #tpu.memory_space<hbm>>) dst(%arg6 : memref<160x128xi32, #tpu.memory_space<vmem>>)
      tpu.yield
    }) : () -> ()
    %scan3A = arith.constant 0 : i32
    %scan3A_4 = arith.constant 0 : i32
    %scan3A_5 = arith.constant 128 : i32
    %scan3A_6 = arith.addi %scan3A_4, %scan3A_5 : i32
    %scan3A_7 = arith.constant 1 : i32
    scf.for %scan3A_64 = %scan3A_4 to %scan3A_6 step %scan3A_7  : i32 {
      %broadcast_in_dim3A = arith.constant 0.000000e+00 : bf16
      %broadcast_in_dim3A_65 = vector.broadcast %broadcast_in_dim3A : bf16 to vector<32xbf16>
      %swap3A = arith.index_cast %scan3A_64 : i32 to index
      %swap3A_66 = arith.constant 0 : index
      %swap3A_67 = tpu.vector_load %arg11[%swap3A, %swap3A_66] {strides = array<i32>} : memref<128x64xbf16, #tpu.memory_space<vmem>>, vector<1x32xbf16>,
      %swap3A_68 = vector.shape_cast %swap3A_67 : vector<1x32xbf16> to vector<32xbf16>
      %swap3A_69 = vector.shape_cast %broadcast_in_dim3A_65 : vector<32xbf16> to vector<1x32xbf16>
      tpu.vector_store %arg11[%swap3A, %swap3A_66], %swap3A_69 {strides = array<i32>} : memref<128x64xbf16, #tpu.memory_space<vmem>>, vector<1x32xbf16>,
      %broadcast_in_dim3A_70 = arith.constant 0.000000e+00 : bf16
      %broadcast_in_dim3A_71 = vector.broadcast %broadcast_in_dim3A_70 : bf16 to vector<32xbf16>
      %swap3A_72 = arith.index_cast %scan3A_64 : i32 to index
      %swap3A_73 = arith.constant 32 : index
      %swap3A_74 = tpu.vector_load %arg11[%swap3A_72, %swap3A_73] {strides = array<i32>} : memref<128x64xbf16, #tpu.memory_space<vmem>>, vector<1x32xbf16>,
      %swap3A_75 = vector.shape_cast %swap3A_74 : vector<1x32xbf16> to vector<32xbf16>
      %swap3A_76 = vector.shape_cast %broadcast_in_dim3A_71 : vector<32xbf16> to vector<1x32xbf16>
      tpu.vector_store %arg11[%swap3A_72, %swap3A_73], %swap3A_76 {strides = array<i32>} : memref<128x64xbf16, #tpu.memory_space<vmem>>, vector<1x32xbf16>,
    }
    %scan3A_8 = arith.constant 128 : i32
    %scan3A_9 = arith.constant 0 : i32
    %scan3A_10 = arith.constant 0 : i32
    %scan3A_11 = arith.constant 5 : i32
    %scan3A_12 = arith.addi %scan3A_10, %scan3A_11 : i32
    %scan3A_13 = arith.constant 1 : i32
    scf.for %scan3A_64 = %scan3A_10 to %scan3A_12 step %scan3A_13  : i32 {
      %mul3A_65 = arith.constant 640 : i32
      %mul3A_66 = arith.muli %arg1, %mul3A_65 : i32
      %mul3A_67 = arith.constant 128 : i32
      %mul3A_68 = arith.muli %scan3A_64, %mul3A_67 : i32
      %add3A = arith.addi %mul3A_66, %mul3A_68 : i32
      "tpu.region"() ({
        %run_scoped3A_69 = tpu.sem_alloc : memref<!tpu.dma_semaphore, #tpu.memory_space<semaphore_mem>>
        %dma_start3A_70 = arith.constant 0 : i32
        %dma_start3A_71 = tpu.memref_slice %arg12[%add3A, %dma_start3A_70] : memref<10240x64xbf16, #tpu.memory_space<vmem_shared>> -> memref<128x64xbf16, #tpu.memory_space<vmem_shared>>
        %dma_start3A_72 = arith.constant 0 : i32
        %dma_start3A_73 = tpu.memref_slice %arg12[%add3A, %dma_start3A_72] : memref<10240x64xbf16, #tpu.memory_space<vmem_shared>> -> memref<128x64xbf16, #tpu.memory_space<vmem_shared>>
        tpu.enqueue_dma source(%arg11 : memref<128x64xbf16, #tpu.memory_space<vmem>>) target(%dma_start3A_73 : memref<128x64xbf16, #tpu.memory_space<vmem_shared>>) target_semaphore(%run_scoped3A_69 : memref<!tpu.dma_semaphore, #tpu.memory_space<semaphore_mem>>)
        %dma_wait3A_74 = arith.constant 0 : i32
        %dma_wait3A_75 = tpu.memref_slice %arg12[%add3A, %dma_wait3A_74] : memref<10240x64xbf16, #tpu.memory_space<vmem_shared>> -> memref<128x64xbf16, #tpu.memory_space<vmem_shared>>
        %dma_wait3A_76 = arith.constant 0 : i32
        %dma_wait3A_77 = tpu.memref_slice %arg12[%add3A, %dma_wait3A_76] : memref<10240x64xbf16, #tpu.memory_space<vmem_shared>> -> memref<128x64xbf16, #tpu.memory_space<vmem_shared>>
        tpu.wait_dma2 semaphore(%run_scoped3A_69 : memref<!tpu.dma_semaphore, #tpu.memory_space<semaphore_mem>>) src(%arg11 : memref<128x64xbf16, #tpu.memory_space<vmem>>) dst(%dma_wait3A_77 : memref<128x64xbf16, #tpu.memory_space<vmem_shared>>)
        tpu.yield
      }) : () -> ()
    }
    %scan3A_14 = arith.constant 5 : i32
    %barrier3A = arith.constant 0 : index
    tpu.barrier barrier_id(%barrier3A)
    %dma_start3A = arith.constant 0 : i32
    %dma_start3A_15 = arith.constant 0 : i32
    %dma_start3A_16 = tpu.memref_slice %arg5[%dma_start3A, %dma_start3A_15] : memref<160x128xi32, #tpu.memory_space<vmem>> -> memref<1x128xi32, #tpu.memory_space<vmem>>
    %dma_start3A_17 = tpu.memref_squeeze %dma_start3A_16 : memref<1x128xi32, #tpu.memory_space<vmem>> -> memref<128xi32, #tpu.memory_space<vmem>>
    %dma_start3A_18 = arith.constant 0 : i32
    %dma_start3A_19 = arith.constant 0 : i32
    %dma_start3A_20 = tpu.memref_slice %arg2[%arg0, %dma_start3A_18, %dma_start3A_19] : memref<2x10016x64xbf16, #tpu.memory_space<hbm>> -> memref<1x10016x64xbf16, #tpu.memory_space<hbm>>
    %dma_start3A_21 = tpu.memref_squeeze %dma_start3A_20 : memref<1x10016x64xbf16, #tpu.memory_space<hbm>> -> memref<10016x64xbf16, #tpu.memory_space<hbm>>
    %dma_start3A_22 = arith.constant 0 : i32
    %dma_start3A_23 = arith.constant 0 : i32
    %dma_start3A_24 = tpu.memref_slice %dma_start3A_21[%dma_start3A_22, %dma_start3A_23] : memref<10016x64xbf16, #tpu.memory_space<hbm>> -> memref<10016x64xbf16, #tpu.memory_space<hbm>>
    tpu.enqueue_indirect_dma source(%dma_start3A_24 : memref<10016x64xbf16, #tpu.memory_space<hbm>>) target(%arg7 : memref<128x64xbf16, #tpu.memory_space<vmem>>) offsets(%dma_start3A_17 : memref<128xi32, #tpu.memory_space<vmem>>) semaphore(%arg13 : memref<!tpu.dma_semaphore, #tpu.memory_space<semaphore_mem>>)
    %dma_start3A_25 = arith.constant 1 : i32
    %dma_start3A_26 = arith.constant 0 : i32
    %dma_start3A_27 = tpu.memref_slice %arg5[%dma_start3A_25, %dma_start3A_26] : memref<160x128xi32, #tpu.memory_space<vmem>> -> memref<1x128xi32, #tpu.memory_space<vmem>>
    %dma_start3A_28 = tpu.memref_squeeze %dma_start3A_27 : memref<1x128xi32, #tpu.memory_space<vmem>> -> memref<128xi32, #tpu.memory_space<vmem>>
    %dma_start3A_29 = arith.constant 0 : i32
    %dma_start3A_30 = arith.constant 0 : i32
    %dma_start3A_31 = tpu.memref_slice %arg2[%arg0, %dma_start3A_29, %dma_start3A_30] : memref<2x10016x64xbf16, #tpu.memory_space<hbm>> -> memref<1x10016x64xbf16, #tpu.memory_space<hbm>>
    %dma_start3A_32 = tpu.memref_squeeze %dma_start3A_31 : memref<1x10016x64xbf16, #tpu.memory_space<hbm>> -> memref<10016x64xbf16, #tpu.memory_space<hbm>>
    %dma_start3A_33 = arith.constant 0 : i32
    %dma_start3A_34 = arith.constant 0 : i32
    %dma_start3A_35 = tpu.memref_slice %dma_start3A_32[%dma_start3A_33, %dma_start3A_34] : memref<10016x64xbf16, #tpu.memory_space<hbm>> -> memref<10016x64xbf16, #tpu.memory_space<hbm>>
    tpu.enqueue_indirect_dma source(%dma_start3A_35 : memref<10016x64xbf16, #tpu.memory_space<hbm>>) target(%arg8 : memref<128x64xbf16, #tpu.memory_space<vmem>>) offsets(%dma_start3A_28 : memref<128xi32, #tpu.memory_space<vmem>>) semaphore(%arg14 : memref<!tpu.dma_semaphore, #tpu.memory_space<semaphore_mem>>)
    %dma_start3A_36 = arith.constant 2 : i32
    %dma_start3A_37 = arith.constant 0 : i32
    %dma_start3A_38 = tpu.memref_slice %arg5[%dma_start3A_36, %dma_start3A_37] : memref<160x128xi32, #tpu.memory_space<vmem>> -> memref<1x128xi32, #tpu.memory_space<vmem>>
    %dma_start3A_39 = tpu.memref_squeeze %dma_start3A_38 : memref<1x128xi32, #tpu.memory_space<vmem>> -> memref<128xi32, #tpu.memory_space<vmem>>
    %dma_start3A_40 = arith.constant 0 : i32
    %dma_start3A_41 = arith.constant 0 : i32
    %dma_start3A_42 = tpu.memref_slice %arg2[%arg0, %dma_start3A_40, %dma_start3A_41] : memref<2x10016x64xbf16, #tpu.memory_space<hbm>> -> memref<1x10016x64xbf16, #tpu.memory_space<hbm>>
    %dma_start3A_43 = tpu.memref_squeeze %dma_start3A_42 : memref<1x10016x64xbf16, #tpu.memory_space<hbm>> -> memref<10016x64xbf16, #tpu.memory_space<hbm>>
    %dma_start3A_44 = arith.constant 0 : i32
    %dma_start3A_45 = arith.constant 0 : i32
    %dma_start3A_46 = tpu.memref_slice %dma_start3A_43[%dma_start3A_44, %dma_start3A_45] : memref<10016x64xbf16, #tpu.memory_space<hbm>> -> memref<10016x64xbf16, #tpu.memory_space<hbm>>
    tpu.enqueue_indirect_dma source(%dma_start3A_46 : memref<10016x64xbf16, #tpu.memory_space<hbm>>) target(%arg9 : memref<128x64xbf16, #tpu.memory_space<vmem>>) offsets(%dma_start3A_39 : memref<128xi32, #tpu.memory_space<vmem>>) semaphore(%arg15 : memref<!tpu.dma_semaphore, #tpu.memory_space<semaphore_mem>>)
    %scan3A_47 = arith.constant 0 : i32
    %scan3A_48 = arith.constant 0 : i32
    %scan3A_49 = arith.constant 40 : i32
    %scan3A_50 = arith.addi %scan3A_48, %scan3A_49 : i32
    %scan3A_51 = arith.constant 1 : i32
    scf.for %scan3A_64 = %scan3A_48 to %scan3A_50 step %scan3A_51  : i32 {
      %mul3A_65 = arith.constant 4 : i32
      %mul3A_66 = arith.muli %mul3A_65, %scan3A_64 : i32
      %add3A = arith.constant 0 : i32
      %add3A_67 = arith.addi %mul3A_66, %add3A : i32
      %dma_wait3A_68 = arith.constant 0 : i32
      %dma_wait3A_69 = tpu.memref_slice %arg5[%add3A_67, %dma_wait3A_68] : memref<160x128xi32, #tpu.memory_space<vmem>> -> memref<1x128xi32, #tpu.memory_space<vmem>>
      %dma_wait3A_70 = tpu.memref_squeeze %dma_wait3A_69 : memref<1x128xi32, #tpu.memory_space<vmem>> -> memref<128xi32, #tpu.memory_space<vmem>>
      %dma_wait3A_71 = arith.constant 0 : i32
      %dma_wait3A_72 = arith.constant 0 : i32
      %dma_wait3A_73 = tpu.memref_slice %arg2[%arg0, %dma_wait3A_71, %dma_wait3A_72] : memref<2x10016x64xbf16, #tpu.memory_space<hbm>> -> memref<1x10016x64xbf16, #tpu.memory_space<hbm>>
      %dma_wait3A_74 = tpu.memref_squeeze %dma_wait3A_73 : memref<1x10016x64xbf16, #tpu.memory_space<hbm>> -> memref<10016x64xbf16, #tpu.memory_space<hbm>>
      %dma_wait3A_75 = arith.constant 0 : i32
      %dma_wait3A_76 = arith.constant 0 : i32
      %dma_wait3A_77 = tpu.memref_slice %dma_wait3A_74[%dma_wait3A_75, %dma_wait3A_76] : memref<10016x64xbf16, #tpu.memory_space<hbm>> -> memref<10016x64xbf16, #tpu.memory_space<hbm>>
      tpu.wait_indirect_dma semaphore(%arg13 : memref<!tpu.dma_semaphore, #tpu.memory_space<semaphore_mem>>) src(%dma_wait3A_77 : memref<10016x64xbf16, #tpu.memory_space<hbm>>) dst(%arg7 : memref<128x64xbf16, #tpu.memory_space<vmem>>)
      %dma_start3A_78 = arith.constant 0 : i32
      %dma_start3A_79 = tpu.memref_slice %arg6[%add3A_67, %dma_start3A_78] : memref<160x128xi32, #tpu.memory_space<vmem>> -> memref<1x128xi32, #tpu.memory_space<vmem>>
      %dma_start3A_80 = tpu.memref_squeeze %dma_start3A_79 : memref<1x128xi32, #tpu.memory_space<vmem>> -> memref<128xi32, #tpu.memory_space<vmem>>
      %dma_start3A_81 = arith.constant 0 : i32
      %dma_start3A_82 = arith.constant 0 : i32
      %dma_start3A_83 = tpu.memref_slice %arg12[%dma_start3A_81, %dma_start3A_82] : memref<10240x64xbf16, #tpu.memory_space<vmem_shared>> -> memref<10240x64xbf16, #tpu.memory_space<vmem_shared>>
      tpu.enqueue_indirect_dma source(%arg7 : memref<128x64xbf16, #tpu.memory_space<vmem>>) target(%dma_start3A_83 : memref<10240x64xbf16, #tpu.memory_space<vmem_shared>>) offsets(%dma_start3A_80 : memref<128xi32, #tpu.memory_space<vmem>>) semaphore(%arg17 : memref<!tpu.dma_semaphore, #tpu.memory_space<semaphore_mem>>) {add = true}
      %gt3A = arith.constant 0 : i32
      %gt3A_84 = arith.cmpi sgt, %scan3A_64, %gt3A : i32
      %convert_element_type3A = arith.extui %gt3A_84 : i1 to i32
      %cond3A = arith.constant 0 : i32
      %cond3A_85 = arith.cmpi ne, %convert_element_type3A, %cond3A : i32
      scf.if %cond3A_85 {
        %dma_wait3A_194 = arith.constant 0 : i32
        %dma_wait3A_195 = arith.constant 0 : i32
        %dma_wait3A_196 = tpu.memref_slice %arg6[%dma_wait3A_194, %dma_wait3A_195] : memref<160x128xi32, #tpu.memory_space<vmem>> -> memref<1x128xi32, #tpu.memory_space<vmem>>
        %dma_wait3A_197 = tpu.memref_squeeze %dma_wait3A_196 : memref<1x128xi32, #tpu.memory_space<vmem>> -> memref<128xi32, #tpu.memory_space<vmem>>
        %dma_wait3A_198 = arith.constant 0 : i32
        %dma_wait3A_199 = arith.constant 0 : i32
        %dma_wait3A_200 = tpu.memref_slice %arg12[%dma_wait3A_198, %dma_wait3A_199] : memref<10240x64xbf16, #tpu.memory_space<vmem_shared>> -> memref<10240x64xbf16, #tpu.memory_space<vmem_shared>>
        tpu.wait_indirect_dma semaphore(%arg20 : memref<!tpu.dma_semaphore, #tpu.memory_space<semaphore_mem>>) src(%arg10 : memref<128x64xbf16, #tpu.memory_space<vmem>>) dst(%dma_wait3A_200 : memref<10240x64xbf16, #tpu.memory_space<vmem_shared>>)
      } else {
      }
      %add3A_86 = arith.constant 4 : i32
      %add3A_87 = arith.addi %add3A_67, %add3A_86 : i32
      %sub3A = arith.constant 1 : i32
      %sub3A_88 = arith.subi %add3A_87, %sub3A : i32
      %dma_start3A_89 = arith.constant 0 : i32
      %dma_start3A_90 = tpu.memref_slice %arg5[%sub3A_88, %dma_start3A_89] : memref<160x128xi32, #tpu.memory_space<vmem>> -> memref<1x128xi32, #tpu.memory_space<vmem>>
      %dma_start3A_91 = tpu.memref_squeeze %dma_start3A_90 : memref<1x128xi32, #tpu.memory_space<vmem>> -> memref<128xi32, #tpu.memory_space<vmem>>
      %dma_start3A_92 = arith.constant 0 : i32
      %dma_start3A_93 = arith.constant 0 : i32
      %dma_start3A_94 = tpu.memref_slice %arg2[%arg0, %dma_start3A_92, %dma_start3A_93] : memref<2x10016x64xbf16, #tpu.memory_space<hbm>> -> memref<1x10016x64xbf16, #tpu.memory_space<hbm>>
      %dma_start3A_95 = tpu.memref_squeeze %dma_start3A_94 : memref<1x10016x64xbf16, #tpu.memory_space<hbm>> -> memref<10016x64xbf16, #tpu.memory_space<hbm>>
      %dma_start3A_96 = arith.constant 0 : i32
      %dma_start3A_97 = arith.constant 0 : i32
      %dma_start3A_98 = tpu.memref_slice %dma_start3A_95[%dma_start3A_96, %dma_start3A_97] : memref<10016x64xbf16, #tpu.memory_space<hbm>> -> memref<10016x64xbf16, #tpu.memory_space<hbm>>
      tpu.enqueue_indirect_dma source(%dma_start3A_98 : memref<10016x64xbf16, #tpu.memory_space<hbm>>) target(%arg10 : memref<128x64xbf16, #tpu.memory_space<vmem>>) offsets(%dma_start3A_91 : memref<128xi32, #tpu.memory_space<vmem>>) semaphore(%arg16 : memref<!tpu.dma_semaphore, #tpu.memory_space<semaphore_mem>>)
      %mul3A_99 = arith.constant 4 : i32
      %mul3A_100 = arith.muli %mul3A_99, %scan3A_64 : i32
      %add3A_101 = arith.constant 1 : i32
      %add3A_102 = arith.addi %mul3A_100, %add3A_101 : i32
      %dma_wait3A_103 = arith.constant 0 : i32
      %dma_wait3A_104 = tpu.memref_slice %arg5[%add3A_102, %dma_wait3A_103] : memref<160x128xi32, #tpu.memory_space<vmem>> -> memref<1x128xi32, #tpu.memory_space<vmem>>
      %dma_wait3A_105 = tpu.memref_squeeze %dma_wait3A_104 : memref<1x128xi32, #tpu.memory_space<vmem>> -> memref<128xi32, #tpu.memory_space<vmem>>
      %dma_wait3A_106 = arith.constant 0 : i32
      %dma_wait3A_107 = arith.constant 0 : i32
      %dma_wait3A_108 = tpu.memref_slice %arg2[%arg0, %dma_wait3A_106, %dma_wait3A_107] : memref<2x10016x64xbf16, #tpu.memory_space<hbm>> -> memref<1x10016x64xbf16, #tpu.memory_space<hbm>>
      %dma_wait3A_109 = tpu.memref_squeeze %dma_wait3A_108 : memref<1x10016x64xbf16, #tpu.memory_space<hbm>> -> memref<10016x64xbf16, #tpu.memory_space<hbm>>
      %dma_wait3A_110 = arith.constant 0 : i32
      %dma_wait3A_111 = arith.constant 0 : i32
      %dma_wait3A_112 = tpu.memref_slice %dma_wait3A_109[%dma_wait3A_110, %dma_wait3A_111] : memref<10016x64xbf16, #tpu.memory_space<hbm>> -> memref<10016x64xbf16, #tpu.memory_space<hbm>>
      tpu.wait_indirect_dma semaphore(%arg14 : memref<!tpu.dma_semaphore, #tpu.memory_space<semaphore_mem>>) src(%dma_wait3A_112 : memref<10016x64xbf16, #tpu.memory_space<hbm>>) dst(%arg8 : memref<128x64xbf16, #tpu.memory_space<vmem>>)
      %dma_start3A_113 = arith.constant 0 : i32
      %dma_start3A_114 = tpu.memref_slice %arg6[%add3A_102, %dma_start3A_113] : memref<160x128xi32, #tpu.memory_space<vmem>> -> memref<1x128xi32, #tpu.memory_space<vmem>>
      %dma_start3A_115 = tpu.memref_squeeze %dma_start3A_114 : memref<1x128xi32, #tpu.memory_space<vmem>> -> memref<128xi32, #tpu.memory_space<vmem>>
      %dma_start3A_116 = arith.constant 0 : i32
      %dma_start3A_117 = arith.constant 0 : i32
      %dma_start3A_118 = tpu.memref_slice %arg12[%dma_start3A_116, %dma_start3A_117] : memref<10240x64xbf16, #tpu.memory_space<vmem_shared>> -> memref<10240x64xbf16, #tpu.memory_space<vmem_shared>>
      tpu.enqueue_indirect_dma source(%arg8 : memref<128x64xbf16, #tpu.memory_space<vmem>>) target(%dma_start3A_118 : memref<10240x64xbf16, #tpu.memory_space<vmem_shared>>) offsets(%dma_start3A_115 : memref<128xi32, #tpu.memory_space<vmem>>) semaphore(%arg18 : memref<!tpu.dma_semaphore, #tpu.memory_space<semaphore_mem>>) {add = true}
      %dma_wait3A_119 = arith.constant 0 : i32
      %dma_wait3A_120 = arith.constant 0 : i32
      %dma_wait3A_121 = tpu.memref_slice %arg6[%dma_wait3A_119, %dma_wait3A_120] : memref<160x128xi32, #tpu.memory_space<vmem>> -> memref<1x128xi32, #tpu.memory_space<vmem>>
      %dma_wait3A_122 = tpu.memref_squeeze %dma_wait3A_121 : memref<1x128xi32, #tpu.memory_space<vmem>> -> memref<128xi32, #tpu.memory_space<vmem>>
      %dma_wait3A_123 = arith.constant 0 : i32
      %dma_wait3A_124 = arith.constant 0 : i32
      %dma_wait3A_125 = tpu.memref_slice %arg12[%dma_wait3A_123, %dma_wait3A_124] : memref<10240x64xbf16, #tpu.memory_space<vmem_shared>> -> memref<10240x64xbf16, #tpu.memory_space<vmem_shared>>
      tpu.wait_indirect_dma semaphore(%arg17 : memref<!tpu.dma_semaphore, #tpu.memory_space<semaphore_mem>>) src(%arg7 : memref<128x64xbf16, #tpu.memory_space<vmem>>) dst(%dma_wait3A_125 : memref<10240x64xbf16, #tpu.memory_space<vmem_shared>>)
      %lt3A = arith.constant 39 : i32
      %lt3A_126 = arith.cmpi slt, %scan3A_64, %lt3A : i32
      %convert_element_type3A_127 = arith.extui %lt3A_126 : i1 to i32
      %cond3A_128 = arith.constant 0 : i32
      %cond3A_129 = arith.cmpi ne, %convert_element_type3A_127, %cond3A_128 : i32
      scf.if %cond3A_129 {
        %add3A_194 = arith.constant 4 : i32
        %add3A_195 = arith.addi %add3A_102, %add3A_194 : i32
        %sub3A_196 = arith.constant 1 : i32
        %sub3A_197 = arith.subi %add3A_195, %sub3A_196 : i32
        %dma_start3A_198 = arith.constant 0 : i32
        %dma_start3A_199 = tpu.memref_slice %arg5[%sub3A_197, %dma_start3A_198] : memref<160x128xi32, #tpu.memory_space<vmem>> -> memref<1x128xi32, #tpu.memory_space<vmem>>
        %dma_start3A_200 = tpu.memref_squeeze %dma_start3A_199 : memref<1x128xi32, #tpu.memory_space<vmem>> -> memref<128xi32, #tpu.memory_space<vmem>>
        %dma_start3A_201 = arith.constant 0 : i32
        %dma_start3A_202 = arith.constant 0 : i32
        %dma_start3A_203 = tpu.memref_slice %arg2[%arg0, %dma_start3A_201, %dma_start3A_202] : memref<2x10016x64xbf16, #tpu.memory_space<hbm>> -> memref<1x10016x64xbf16, #tpu.memory_space<hbm>>
        %dma_start3A_204 = tpu.memref_squeeze %dma_start3A_203 : memref<1x10016x64xbf16, #tpu.memory_space<hbm>> -> memref<10016x64xbf16, #tpu.memory_space<hbm>>
        %dma_start3A_205 = arith.constant 0 : i32
        %dma_start3A_206 = arith.constant 0 : i32
        %dma_start3A_207 = tpu.memref_slice %dma_start3A_204[%dma_start3A_205, %dma_start3A_206] : memref<10016x64xbf16, #tpu.memory_space<hbm>> -> memref<10016x64xbf16, #tpu.memory_space<hbm>>
        tpu.enqueue_indirect_dma source(%dma_start3A_207 : memref<10016x64xbf16, #tpu.memory_space<hbm>>) target(%arg7 : memref<128x64xbf16, #tpu.memory_space<vmem>>) offsets(%dma_start3A_200 : memref<128xi32, #tpu.memory_space<vmem>>) semaphore(%arg13 : memref<!tpu.dma_semaphore, #tpu.memory_space<semaphore_mem>>)
      } else {
      }
      %mul3A_130 = arith.constant 4 : i32
      %mul3A_131 = arith.muli %mul3A_130, %scan3A_64 : i32
      %add3A_132 = arith.constant 2 : i32
      %add3A_133 = arith.addi %mul3A_131, %add3A_132 : i32
      %dma_wait3A_134 = arith.constant 0 : i32
      %dma_wait3A_135 = tpu.memref_slice %arg5[%add3A_133, %dma_wait3A_134] : memref<160x128xi32, #tpu.memory_space<vmem>> -> memref<1x128xi32, #tpu.memory_space<vmem>>
      %dma_wait3A_136 = tpu.memref_squeeze %dma_wait3A_135 : memref<1x128xi32, #tpu.memory_space<vmem>> -> memref<128xi32, #tpu.memory_space<vmem>>
      %dma_wait3A_137 = arith.constant 0 : i32
      %dma_wait3A_138 = arith.constant 0 : i32
      %dma_wait3A_139 = tpu.memref_slice %arg2[%arg0, %dma_wait3A_137, %dma_wait3A_138] : memref<2x10016x64xbf16, #tpu.memory_space<hbm>> -> memref<1x10016x64xbf16, #tpu.memory_space<hbm>>
      %dma_wait3A_140 = tpu.memref_squeeze %dma_wait3A_139 : memref<1x10016x64xbf16, #tpu.memory_space<hbm>> -> memref<10016x64xbf16, #tpu.memory_space<hbm>>
      %dma_wait3A_141 = arith.constant 0 : i32
      %dma_wait3A_142 = arith.constant 0 : i32
      %dma_wait3A_143 = tpu.memref_slice %dma_wait3A_140[%dma_wait3A_141, %dma_wait3A_142] : memref<10016x64xbf16, #tpu.memory_space<hbm>> -> memref<10016x64xbf16, #tpu.memory_space<hbm>>
      tpu.wait_indirect_dma semaphore(%arg15 : memref<!tpu.dma_semaphore, #tpu.memory_space<semaphore_mem>>) src(%dma_wait3A_143 : memref<10016x64xbf16, #tpu.memory_space<hbm>>) dst(%arg9 : memref<128x64xbf16, #tpu.memory_space<vmem>>)
      %dma_start3A_144 = arith.constant 0 : i32
      %dma_start3A_145 = tpu.memref_slice %arg6[%add3A_133, %dma_start3A_144] : memref<160x128xi32, #tpu.memory_space<vmem>> -> memref<1x128xi32, #tpu.memory_space<vmem>>
      %dma_start3A_146 = tpu.memref_squeeze %dma_start3A_145 : memref<1x128xi32, #tpu.memory_space<vmem>> -> memref<128xi32, #tpu.memory_space<vmem>>
      %dma_start3A_147 = arith.constant 0 : i32
      %dma_start3A_148 = arith.constant 0 : i32
      %dma_start3A_149 = tpu.memref_slice %arg12[%dma_start3A_147, %dma_start3A_148] : memref<10240x64xbf16, #tpu.memory_space<vmem_shared>> -> memref<10240x64xbf16, #tpu.memory_space<vmem_shared>>
      tpu.enqueue_indirect_dma source(%arg9 : memref<128x64xbf16, #tpu.memory_space<vmem>>) target(%dma_start3A_149 : memref<10240x64xbf16, #tpu.memory_space<vmem_shared>>) offsets(%dma_start3A_146 : memref<128xi32, #tpu.memory_space<vmem>>) semaphore(%arg19 : memref<!tpu.dma_semaphore, #tpu.memory_space<semaphore_mem>>) {add = true}
      %dma_wait3A_150 = arith.constant 0 : i32
      %dma_wait3A_151 = arith.constant 0 : i32
      %dma_wait3A_152 = tpu.memref_slice %arg6[%dma_wait3A_150, %dma_wait3A_151] : memref<160x128xi32, #tpu.memory_space<vmem>> -> memref<1x128xi32, #tpu.memory_space<vmem>>
      %dma_wait3A_153 = tpu.memref_squeeze %dma_wait3A_152 : memref<1x128xi32, #tpu.memory_space<vmem>> -> memref<128xi32, #tpu.memory_space<vmem>>
      %dma_wait3A_154 = arith.constant 0 : i32
      %dma_wait3A_155 = arith.constant 0 : i32
      %dma_wait3A_156 = tpu.memref_slice %arg12[%dma_wait3A_154, %dma_wait3A_155] : memref<10240x64xbf16, #tpu.memory_space<vmem_shared>> -> memref<10240x64xbf16, #tpu.memory_space<vmem_shared>>
      tpu.wait_indirect_dma semaphore(%arg18 : memref<!tpu.dma_semaphore, #tpu.memory_space<semaphore_mem>>) src(%arg8 : memref<128x64xbf16, #tpu.memory_space<vmem>>) dst(%dma_wait3A_156 : memref<10240x64xbf16, #tpu.memory_space<vmem_shared>>)
      %lt3A_157 = arith.constant 39 : i32
      %lt3A_158 = arith.cmpi slt, %scan3A_64, %lt3A_157 : i32
      %convert_element_type3A_159 = arith.extui %lt3A_158 : i1 to i32
      %cond3A_160 = arith.constant 0 : i32
      %cond3A_161 = arith.cmpi ne, %convert_element_type3A_159, %cond3A_160 : i32
      scf.if %cond3A_161 {
        %add3A_194 = arith.constant 4 : i32
        %add3A_195 = arith.addi %add3A_133, %add3A_194 : i32
        %sub3A_196 = arith.constant 1 : i32
        %sub3A_197 = arith.subi %add3A_195, %sub3A_196 : i32
        %dma_start3A_198 = arith.constant 0 : i32
        %dma_start3A_199 = tpu.memref_slice %arg5[%sub3A_197, %dma_start3A_198] : memref<160x128xi32, #tpu.memory_space<vmem>> -> memref<1x128xi32, #tpu.memory_space<vmem>>
        %dma_start3A_200 = tpu.memref_squeeze %dma_start3A_199 : memref<1x128xi32, #tpu.memory_space<vmem>> -> memref<128xi32, #tpu.memory_space<vmem>>
        %dma_start3A_201 = arith.constant 0 : i32
        %dma_start3A_202 = arith.constant 0 : i32
        %dma_start3A_203 = tpu.memref_slice %arg2[%arg0, %dma_start3A_201, %dma_start3A_202] : memref<2x10016x64xbf16, #tpu.memory_space<hbm>> -> memref<1x10016x64xbf16, #tpu.memory_space<hbm>>
        %dma_start3A_204 = tpu.memref_squeeze %dma_start3A_203 : memref<1x10016x64xbf16, #tpu.memory_space<hbm>> -> memref<10016x64xbf16, #tpu.memory_space<hbm>>
        %dma_start3A_205 = arith.constant 0 : i32
        %dma_start3A_206 = arith.constant 0 : i32
        %dma_start3A_207 = tpu.memref_slice %dma_start3A_204[%dma_start3A_205, %dma_start3A_206] : memref<10016x64xbf16, #tpu.memory_space<hbm>> -> memref<10016x64xbf16, #tpu.memory_space<hbm>>
        tpu.enqueue_indirect_dma source(%dma_start3A_207 : memref<10016x64xbf16, #tpu.memory_space<hbm>>) target(%arg8 : memref<128x64xbf16, #tpu.memory_space<vmem>>) offsets(%dma_start3A_200 : memref<128xi32, #tpu.memory_space<vmem>>) semaphore(%arg14 : memref<!tpu.dma_semaphore, #tpu.memory_space<semaphore_mem>>)
      } else {
      }
      %mul3A_162 = arith.constant 4 : i32
      %mul3A_163 = arith.muli %mul3A_162, %scan3A_64 : i32
      %add3A_164 = arith.constant 3 : i32
      %add3A_165 = arith.addi %mul3A_163, %add3A_164 : i32
      %dma_wait3A_166 = arith.constant 0 : i32
      %dma_wait3A_167 = tpu.memref_slice %arg5[%add3A_165, %dma_wait3A_166] : memref<160x128xi32, #tpu.memory_space<vmem>> -> memref<1x128xi32, #tpu.memory_space<vmem>>
      %dma_wait3A_168 = tpu.memref_squeeze %dma_wait3A_167 : memref<1x128xi32, #tpu.memory_space<vmem>> -> memref<128xi32, #tpu.memory_space<vmem>>
      %dma_wait3A_169 = arith.constant 0 : i32
      %dma_wait3A_170 = arith.constant 0 : i32
      %dma_wait3A_171 = tpu.memref_slice %arg2[%arg0, %dma_wait3A_169, %dma_wait3A_170] : memref<2x10016x64xbf16, #tpu.memory_space<hbm>> -> memref<1x10016x64xbf16, #tpu.memory_space<hbm>>
      %dma_wait3A_172 = tpu.memref_squeeze %dma_wait3A_171 : memref<1x10016x64xbf16, #tpu.memory_space<hbm>> -> memref<10016x64xbf16, #tpu.memory_space<hbm>>
      %dma_wait3A_173 = arith.constant 0 : i32
      %dma_wait3A_174 = arith.constant 0 : i32
      %dma_wait3A_175 = tpu.memref_slice %dma_wait3A_172[%dma_wait3A_173, %dma_wait3A_174] : memref<10016x64xbf16, #tpu.memory_space<hbm>> -> memref<10016x64xbf16, #tpu.memory_space<hbm>>
      tpu.wait_indirect_dma semaphore(%arg16 : memref<!tpu.dma_semaphore, #tpu.memory_space<semaphore_mem>>) src(%dma_wait3A_175 : memref<10016x64xbf16, #tpu.memory_space<hbm>>) dst(%arg10 : memref<128x64xbf16, #tpu.memory_space<vmem>>)
      %dma_start3A_176 = arith.constant 0 : i32
      %dma_start3A_177 = tpu.memref_slice %arg6[%add3A_165, %dma_start3A_176] : memref<160x128xi32, #tpu.memory_space<vmem>> -> memref<1x128xi32, #tpu.memory_space<vmem>>
      %dma_start3A_178 = tpu.memref_squeeze %dma_start3A_177 : memref<1x128xi32, #tpu.memory_space<vmem>> -> memref<128xi32, #tpu.memory_space<vmem>>
      %dma_start3A_179 = arith.constant 0 : i32
      %dma_start3A_180 = arith.constant 0 : i32
      %dma_start3A_181 = tpu.memref_slice %arg12[%dma_start3A_179, %dma_start3A_180] : memref<10240x64xbf16, #tpu.memory_space<vmem_shared>> -> memref<10240x64xbf16, #tpu.memory_space<vmem_shared>>
      tpu.enqueue_indirect_dma source(%arg10 : memref<128x64xbf16, #tpu.memory_space<vmem>>) target(%dma_start3A_181 : memref<10240x64xbf16, #tpu.memory_space<vmem_shared>>) offsets(%dma_start3A_178 : memref<128xi32, #tpu.memory_space<vmem>>) semaphore(%arg20 : memref<!tpu.dma_semaphore, #tpu.memory_space<semaphore_mem>>) {add = true}
      %dma_wait3A_182 = arith.constant 0 : i32
      %dma_wait3A_183 = arith.constant 0 : i32
      %dma_wait3A_184 = tpu.memref_slice %arg6[%dma_wait3A_182, %dma_wait3A_183] : memref<160x128xi32, #tpu.memory_space<vmem>> -> memref<1x128xi32, #tpu.memory_space<vmem>>
      %dma_wait3A_185 = tpu.memref_squeeze %dma_wait3A_184 : memref<1x128xi32, #tpu.memory_space<vmem>> -> memref<128xi32, #tpu.memory_space<vmem>>
      %dma_wait3A_186 = arith.constant 0 : i32
      %dma_wait3A_187 = arith.constant 0 : i32
      %dma_wait3A_188 = tpu.memref_slice %arg12[%dma_wait3A_186, %dma_wait3A_187] : memref<10240x64xbf16, #tpu.memory_space<vmem_shared>> -> memref<10240x64xbf16, #tpu.memory_space<vmem_shared>>
      tpu.wait_indirect_dma semaphore(%arg19 : memref<!tpu.dma_semaphore, #tpu.memory_space<semaphore_mem>>) src(%arg9 : memref<128x64xbf16, #tpu.memory_space<vmem>>) dst(%dma_wait3A_188 : memref<10240x64xbf16, #tpu.memory_space<vmem_shared>>)
      %lt3A_189 = arith.constant 39 : i32
      %lt3A_190 = arith.cmpi slt, %scan3A_64, %lt3A_189 : i32
      %convert_element_type3A_191 = arith.extui %lt3A_190 : i1 to i32
      %cond3A_192 = arith.constant 0 : i32
      %cond3A_193 = arith.cmpi ne, %convert_element_type3A_191, %cond3A_192 : i32
      scf.if %cond3A_193 {
        %add3A_194 = arith.constant 4 : i32
        %add3A_195 = arith.addi %add3A_165, %add3A_194 : i32
        %sub3A_196 = arith.constant 1 : i32
        %sub3A_197 = arith.subi %add3A_195, %sub3A_196 : i32
        %dma_start3A_198 = arith.constant 0 : i32
        %dma_start3A_199 = tpu.memref_slice %arg5[%sub3A_197, %dma_start3A_198] : memref<160x128xi32, #tpu.memory_space<vmem>> -> memref<1x128xi32, #tpu.memory_space<vmem>>
        %dma_start3A_200 = tpu.memref_squeeze %dma_start3A_199 : memref<1x128xi32, #tpu.memory_space<vmem>> -> memref<128xi32, #tpu.memory_space<vmem>>
        %dma_start3A_201 = arith.constant 0 : i32
        %dma_start3A_202 = arith.constant 0 : i32
        %dma_start3A_203 = tpu.memref_slice %arg2[%arg0, %dma_start3A_201, %dma_start3A_202] : memref<2x10016x64xbf16, #tpu.memory_space<hbm>> -> memref<1x10016x64xbf16, #tpu.memory_space<hbm>>
        %dma_start3A_204 = tpu.memref_squeeze %dma_start3A_203 : memref<1x10016x64xbf16, #tpu.memory_space<hbm>> -> memref<10016x64xbf16, #tpu.memory_space<hbm>>
        %dma_start3A_205 = arith.constant 0 : i32
        %dma_start3A_206 = arith.constant 0 : i32
        %dma_start3A_207 = tpu.memref_slice %dma_start3A_204[%dma_start3A_205, %dma_start3A_206] : memref<10016x64xbf16, #tpu.memory_space<hbm>> -> memref<10016x64xbf16, #tpu.memory_space<hbm>>
        tpu.enqueue_indirect_dma source(%dma_start3A_207 : memref<10016x64xbf16, #tpu.memory_space<hbm>>) target(%arg9 : memref<128x64xbf16, #tpu.memory_space<vmem>>) offsets(%dma_start3A_200 : memref<128xi32, #tpu.memory_space<vmem>>) semaphore(%arg15 : memref<!tpu.dma_semaphore, #tpu.memory_space<semaphore_mem>>)
      } else {
      }
    }
    %scan3A_52 = arith.constant 40 : i32
    %dma_wait3A = arith.constant 0 : i32
    %dma_wait3A_53 = arith.constant 0 : i32
    %dma_wait3A_54 = tpu.memref_slice %arg6[%dma_wait3A, %dma_wait3A_53] : memref<160x128xi32, #tpu.memory_space<vmem>> -> memref<1x128xi32, #tpu.memory_space<vmem>>
    %dma_wait3A_55 = tpu.memref_squeeze %dma_wait3A_54 : memref<1x128xi32, #tpu.memory_space<vmem>> -> memref<128xi32, #tpu.memory_space<vmem>>
    %dma_wait3A_56 = arith.constant 0 : i32
    %dma_wait3A_57 = arith.constant 0 : i32
    %dma_wait3A_58 = tpu.memref_slice %arg12[%dma_wait3A_56, %dma_wait3A_57] : memref<10240x64xbf16, #tpu.memory_space<vmem_shared>> -> memref<10240x64xbf16, #tpu.memory_space<vmem_shared>>
    tpu.wait_indirect_dma semaphore(%arg20 : memref<!tpu.dma_semaphore, #tpu.memory_space<semaphore_mem>>) src(%arg10 : memref<128x64xbf16, #tpu.memory_space<vmem>>) dst(%dma_wait3A_58 : memref<10240x64xbf16, #tpu.memory_space<vmem_shared>>)
    %barrier3A_59 = arith.constant 0 : index
    tpu.barrier barrier_id(%barrier3A_59)
    %mul3A_60 = arith.constant 640 : i32
    %mul3A_61 = arith.muli %arg1, %mul3A_60 : i32
    %mul3A_62 = arith.constant 640 : i32
    %mul3A_63 = arith.muli %arg1, %mul3A_62 : i32
    "tpu.region"() ({
      %run_scoped3A_64 = tpu.sem_alloc : memref<!tpu.dma_semaphore, #tpu.memory_space<semaphore_mem>>
      %dma_start3A_65 = arith.constant 0 : i32
      %dma_start3A_66 = tpu.memref_slice %arg4[%arg0, %mul3A_63, %dma_start3A_65] : memref<2x10240x64xbf16, #tpu.memory_space<hbm>> -> memref<1x640x64xbf16, #tpu.memory_space<hbm>>
      %dma_start3A_67 = tpu.memref_squeeze %dma_start3A_66 : memref<1x640x64xbf16, #tpu.memory_space<hbm>> -> memref<640x64xbf16, #tpu.memory_space<hbm>>
      %dma_start3A_68 = arith.constant 0 : i32
      %dma_start3A_69 = tpu.memref_slice %arg12[%mul3A_61, %dma_start3A_68] : memref<10240x64xbf16, #tpu.memory_space<vmem_shared>> -> memref<640x64xbf16, #tpu.memory_space<vmem_shared>>
      tpu.enqueue_dma source(%dma_start3A_69 : memref<640x64xbf16, #tpu.memory_space<vmem_shared>>) target(%dma_start3A_67 : memref<640x64xbf16, #tpu.memory_space<hbm>>) target_semaphore(%run_scoped3A_64 : memref<!tpu.dma_semaphore, #tpu.memory_space<semaphore_mem>>)
      %dma_wait3A_70 = arith.constant 0 : i32
      %dma_wait3A_71 = tpu.memref_slice %arg4[%arg0, %mul3A_63, %dma_wait3A_70] : memref<2x10240x64xbf16, #tpu.memory_space<hbm>> -> memref<1x640x64xbf16, #tpu.memory_space<hbm>>
      %dma_wait3A_72 = tpu.memref_squeeze %dma_wait3A_71 : memref<1x640x64xbf16, #tpu.memory_space<hbm>> -> memref<640x64xbf16, #tpu.memory_space<hbm>>
      %dma_wait3A_73 = arith.constant 0 : i32
      %dma_wait3A_74 = tpu.memref_slice %arg12[%mul3A_61, %dma_wait3A_73] : memref<10240x64xbf16, #tpu.memory_space<vmem_shared>> -> memref<640x64xbf16, #tpu.memory_space<vmem_shared>>
      tpu.wait_dma2 semaphore(%run_scoped3A_64 : memref<!tpu.dma_semaphore, #tpu.memory_space<semaphore_mem>>) src(%dma_wait3A_74 : memref<640x64xbf16, #tpu.memory_space<vmem_shared>>) dst(%dma_wait3A_72 : memref<640x64xbf16, #tpu.memory_space<hbm>>)
      tpu.yield
    }) : () -> ()
    return
  }
}

module attributes {stable_mosaic.version = 14 : i64} {
  func.func @_mm_body(%arg0: i32, %arg1: memref<2000x128xf32, #tpu.memory_space<vmem>>, %arg2: memref<128x128xf32, #tpu.memory_space<vmem>>, %arg3: memref<2000x128xf32, #tpu.memory_space<vmem>>) attributes {dimension_semantics = [#tpu.dimension_semantics<arbitrary>], iteration_bounds = array<i64: 5>, scalar_prefetch = 0 : i64, scratch_operands = 0 : i64, tpu.core_type = #tpu.core_type<tc>, window_params = [{transform_indices = @transform_0, window_bounds = array<i64: 2000, 128>}, {pipeline_mode = #tpu.pipeline_mode<synchronous>, transform_indices = @transform_1, window_bounds = array<i64: 128, 128>}, {transform_indices = @transform_2, window_bounds = array<i64: 2000, 128>}]} {
    %get3A = arith.constant 0 : index
    %get3A_0 = arith.constant 0 : index
    %get3A_1 = vector.load %arg1[%get3A, %get3A_0] : memref<2000x128xf32, #tpu.memory_space<vmem>>, vector<2000x128xf32>
    %get3A_2 = arith.constant 0 : index
    %get3A_3 = arith.constant 0 : index
    %get3A_4 = vector.load %arg2[%get3A_2, %get3A_3] : memref<128x128xf32, #tpu.memory_space<vmem>>, vector<128x128xf32>
    %dot_general3A = arith.constant dense<0.000000e+00> : vector<2000x128xf32>
    %dot_general3A_5 = tpu.matmul %get3A_1, %get3A_4, %dot_general3A {dimension_numbers = #tpu.dot_dimension_numbers<[1], [0], [0], [1], [0, 0, 1, 1], [], []>, transpose_lhs_hint = false} : vector<2000x128xf32>, vector<128x128xf32>, vector<2000x128xf32> -> vector<2000x128xf32>
    %swap3A = arith.constant 0 : index
    %swap3A_6 = arith.constant 0 : index
    %swap3A_7 = vector.load %arg3[%swap3A, %swap3A_6] : memref<2000x128xf32, #tpu.memory_space<vmem>>, vector<2000x128xf32>
    tpu.vector_store %arg3[%swap3A, %swap3A_6], %dot_general3A_5 {strides = array<i32>} : memref<2000x128xf32, #tpu.memory_space<vmem>>, vector<2000x128xf32>,
    return
  }
  func.func @transform_0(%arg0: i32) -> (i32, i32) {
    %c0_i32 = arith.constant 0 : i32
    %c0_i32_0 = arith.constant 0 : i32
    return %arg0, %c0_i32 : i32, i32
  }
  func.func @transform_1(%arg0: i32) -> (i32, i32) {
    %c0_i32 = arith.constant 0 : i32
    %c0_i32_0 = arith.constant 0 : i32
    %c0_i32_1 = arith.constant 0 : i32
    return %c0_i32, %c0_i32_0 : i32, i32
  }
  func.func @transform_2(%arg0: i32) -> (i32, i32) {
    %c0_i32 = arith.constant 0 : i32
    %c0_i32_0 = arith.constant 0 : i32
    return %arg0, %c0_i32 : i32, i32
  }
}

module attributes {stable_mosaic.version = 14 : i64} {
  func.func @_prep_body(%arg0: i32, %arg1: memref<2000x128xf32, #tpu.memory_space<vmem>>, %arg2: memref<2x2000x16xf32, #tpu.memory_space<vmem>>, %arg3: memref<2x2000x64xbf16, #tpu.memory_space<vmem>>, %arg4: memref<2000x1xf32, #tpu.memory_space<vmem>>) attributes {dimension_semantics = [#tpu.dimension_semantics<arbitrary>], iteration_bounds = array<i64: 5>, scalar_prefetch = 0 : i64, scratch_operands = 0 : i64, tpu.core_type = #tpu.core_type<tc>, window_params = [{transform_indices = @transform_0, window_bounds = array<i64: 2000, 128>}, {transform_indices = @transform_1, window_bounds = array<i64: 2, 2000, 16>}, {transform_indices = @transform_2, window_bounds = array<i64: 2, 2000, 64>}, {transform_indices = @transform_3, window_bounds = array<i64: 2000, 1>}]} {
    %get3A = arith.constant 0 : index
    %get3A_0 = arith.constant 0 : index
    %get3A_1 = arith.constant 0 : index
    %get3A_2 = vector.load %arg2[%get3A, %get3A_0, %get3A_1] : memref<2x2000x16xf32, #tpu.memory_space<vmem>>, vector<1x2000x1xf32>
    %get3A_3 = vector.shape_cast %get3A_2 : vector<1x2000x1xf32> to vector<2000x1xf32>
    %get3A_4 = arith.constant 1 : index
    %get3A_5 = arith.constant 0 : index
    %get3A_6 = arith.constant 0 : index
    %get3A_7 = vector.load %arg2[%get3A_4, %get3A_5, %get3A_6] : memref<2x2000x16xf32, #tpu.memory_space<vmem>>, vector<1x2000x1xf32>
    %get3A_8 = vector.shape_cast %get3A_7 : vector<1x2000x1xf32> to vector<2000x1xf32>
    %add3A = arith.addf %get3A_3, %get3A_8 : vector<2000x1xf32>
    %add3A_9 = arith.constant 1.000000e+00 : f32
    %add3A_10 = vector.broadcast %add3A_9 : f32 to vector<2000x1xf32>
    %add3A_11 = arith.addf %add3A, %add3A_10 : vector<2000x1xf32>
    %rsqrt3A = math.rsqrt %add3A_11 : vector<2000x1xf32>
    %get3A_12 = arith.constant 0 : index
    %get3A_13 = arith.constant 0 : index
    %get3A_14 = vector.load %arg1[%get3A_12, %get3A_13] : memref<2000x128xf32, #tpu.memory_space<vmem>>, vector<2000x128xf32>
    %mul3A = vector.broadcast %rsqrt3A : vector<2000x1xf32> to vector<2000x128xf32>
    %mul3A_15 = arith.mulf %get3A_14, %mul3A : vector<2000x128xf32>
    %convert_element_type3A = arith.truncf %mul3A_15 : vector<2000x128xf32> to vector<2000x128xbf16>
    %slice3A = vector.extract_strided_slice %convert_element_type3A {offsets = [0, 0], sizes = [2000, 64], strides = [1, 1]} : vector<2000x128xbf16> to vector<2000x64xbf16>
    %swap3A = arith.constant 0 : index
    %swap3A_16 = arith.constant 0 : index
    %swap3A_17 = arith.constant 0 : index
    %swap3A_18 = vector.load %arg3[%swap3A, %swap3A_16, %swap3A_17] : memref<2x2000x64xbf16, #tpu.memory_space<vmem>>, vector<1x2000x64xbf16>
    %swap3A_19 = vector.shape_cast %swap3A_18 : vector<1x2000x64xbf16> to vector<2000x64xbf16>
    %swap3A_20 = vector.shape_cast %slice3A : vector<2000x64xbf16> to vector<1x2000x64xbf16>
    tpu.vector_store %arg3[%swap3A, %swap3A_16, %swap3A_17], %swap3A_20 {strides = array<i32>} : memref<2x2000x64xbf16, #tpu.memory_space<vmem>>, vector<1x2000x64xbf16>,
    %slice3A_21 = vector.extract_strided_slice %convert_element_type3A {offsets = [0, 64], sizes = [2000, 64], strides = [1, 1]} : vector<2000x128xbf16> to vector<2000x64xbf16>
    %swap3A_22 = arith.constant 1 : index
    %swap3A_23 = arith.constant 0 : index
    %swap3A_24 = arith.constant 0 : index
    %swap3A_25 = vector.load %arg3[%swap3A_22, %swap3A_23, %swap3A_24] : memref<2x2000x64xbf16, #tpu.memory_space<vmem>>, vector<1x2000x64xbf16>
    %swap3A_26 = vector.shape_cast %swap3A_25 : vector<1x2000x64xbf16> to vector<2000x64xbf16>
    %swap3A_27 = vector.shape_cast %slice3A_21 : vector<2000x64xbf16> to vector<1x2000x64xbf16>
    tpu.vector_store %arg3[%swap3A_22, %swap3A_23, %swap3A_24], %swap3A_27 {strides = array<i32>} : memref<2x2000x64xbf16, #tpu.memory_space<vmem>>, vector<1x2000x64xbf16>,
    %swap3A_28 = arith.constant 0 : index
    %swap3A_29 = arith.constant 0 : index
    %swap3A_30 = vector.load %arg4[%swap3A_28, %swap3A_29] : memref<2000x1xf32, #tpu.memory_space<vmem>>, vector<2000x1xf32>
    tpu.vector_store %arg4[%swap3A_28, %swap3A_29], %rsqrt3A {strides = array<i32>} : memref<2000x1xf32, #tpu.memory_space<vmem>>, vector<2000x1xf32>,
    return
  }
  func.func @transform_0(%arg0: i32) -> (i32, i32) {
    %c0_i32 = arith.constant 0 : i32
    %c0_i32_0 = arith.constant 0 : i32
    return %arg0, %c0_i32 : i32, i32
  }
  func.func @transform_1(%arg0: i32) -> (i32, i32, i32) {
    %c0_i32 = arith.constant 0 : i32
    %c0_i32_0 = arith.constant 0 : i32
    %c0_i32_1 = arith.constant 0 : i32
    return %c0_i32, %arg0, %c0_i32_0 : i32, i32, i32
  }
  func.func @transform_2(%arg0: i32) -> (i32, i32, i32) {
    %c0_i32 = arith.constant 0 : i32
    %c0_i32_0 = arith.constant 0 : i32
    %c0_i32_1 = arith.constant 0 : i32
    return %c0_i32, %arg0, %c0_i32_0 : i32, i32, i32
  }
  func.func @transform_3(%arg0: i32) -> (i32, i32) {
    %c0_i32 = arith.constant 0 : i32
    %c0_i32_0 = arith.constant 0 : i32
    return %arg0, %c0_i32 : i32, i32
  }
}

module attributes {stable_mosaic.version = 14 : i64} {
  func.func @_mid_body(%arg0: i32, %arg1: memref<2x2000x64xbf16, #tpu.memory_space<vmem>>, %arg2: memref<2x2000x64xbf16, #tpu.memory_space<vmem>>, %arg3: memref<2000x1xf32, #tpu.memory_space<vmem>>, %arg4: memref<1x128xf32, #tpu.memory_space<vmem>>, %arg5: memref<128x128xf32, #tpu.memory_space<vmem>>, %arg6: memref<2x2000x64xbf16, #tpu.memory_space<vmem>>) attributes {dimension_semantics = [#tpu.dimension_semantics<arbitrary>], iteration_bounds = array<i64: 5>, scalar_prefetch = 0 : i64, scratch_operands = 0 : i64, tpu.core_type = #tpu.core_type<tc>, window_params = [{transform_indices = @transform_0, window_bounds = array<i64: 2, 2000, 64>}, {transform_indices = @transform_1, window_bounds = array<i64: 2, 2000, 64>}, {transform_indices = @transform_2, window_bounds = array<i64: 2000, 1>}, {pipeline_mode = #tpu.pipeline_mode<synchronous>, transform_indices = @transform_3, window_bounds = array<i64: 1, 128>}, {pipeline_mode = #tpu.pipeline_mode<synchronous>, transform_indices = @transform_4, window_bounds = array<i64: 128, 128>}, {transform_indices = @transform_5, window_bounds = array<i64: 2, 2000, 64>}]} {
    %get3A = arith.constant 0 : index
    %get3A_0 = arith.constant 0 : index
    %get3A_1 = arith.constant 0 : index
    %get3A_2 = vector.load %arg1[%get3A, %get3A_0, %get3A_1] : memref<2x2000x64xbf16, #tpu.memory_space<vmem>>, vector<1x2000x64xbf16>
    %get3A_3 = vector.shape_cast %get3A_2 : vector<1x2000x64xbf16> to vector<2000x64xbf16>
    %convert_element_type3A = arith.extf %get3A_3 : vector<2000x64xbf16> to vector<2000x64xf32>
    %get3A_4 = arith.constant 0 : index
    %get3A_5 = arith.constant 0 : index
    %get3A_6 = arith.constant 0 : index
    %get3A_7 = vector.load %arg2[%get3A_4, %get3A_5, %get3A_6] : memref<2x2000x64xbf16, #tpu.memory_space<vmem>>, vector<1x2000x64xbf16>
    %get3A_8 = vector.shape_cast %get3A_7 : vector<1x2000x64xbf16> to vector<2000x64xbf16>
    %convert_element_type3A_9 = arith.extf %get3A_8 : vector<2000x64xbf16> to vector<2000x64xf32>
    %add3A = arith.addf %convert_element_type3A, %convert_element_type3A_9 : vector<2000x64xf32>
    %get3A_10 = arith.constant 1 : index
    %get3A_11 = arith.constant 0 : index
    %get3A_12 = arith.constant 0 : index
    %get3A_13 = vector.load %arg1[%get3A_10, %get3A_11, %get3A_12] : memref<2x2000x64xbf16, #tpu.memory_space<vmem>>, vector<1x2000x64xbf16>
    %get3A_14 = vector.shape_cast %get3A_13 : vector<1x2000x64xbf16> to vector<2000x64xbf16>
    %convert_element_type3A_15 = arith.extf %get3A_14 : vector<2000x64xbf16> to vector<2000x64xf32>
    %get3A_16 = arith.constant 1 : index
    %get3A_17 = arith.constant 0 : index
    %get3A_18 = arith.constant 0 : index
    %get3A_19 = vector.load %arg2[%get3A_16, %get3A_17, %get3A_18] : memref<2x2000x64xbf16, #tpu.memory_space<vmem>>, vector<1x2000x64xbf16>
    %get3A_20 = vector.shape_cast %get3A_19 : vector<1x2000x64xbf16> to vector<2000x64xbf16>
    %convert_element_type3A_21 = arith.extf %get3A_20 : vector<2000x64xbf16> to vector<2000x64xf32>
    %add3A_22 = arith.addf %convert_element_type3A_15, %convert_element_type3A_21 : vector<2000x64xf32>
    %concatenate3A = tpu.concatenate %add3A, %add3A_22 in 1 : vector<2000x64xf32>, vector<2000x64xf32> -> vector<2000x128xf32>
    %get3A_23 = arith.constant 0 : index
    %get3A_24 = arith.constant 0 : index
    %get3A_25 = vector.load %arg3[%get3A_23, %get3A_24] : memref<2000x1xf32, #tpu.memory_space<vmem>>, vector<2000x1xf32>
    %mul3A = vector.broadcast %get3A_25 : vector<2000x1xf32> to vector<2000x128xf32>
    %mul3A_26 = arith.mulf %concatenate3A, %mul3A : vector<2000x128xf32>
    %get3A_27 = arith.constant 0 : index
    %get3A_28 = arith.constant 0 : index
    %get3A_29 = vector.load %arg4[%get3A_27, %get3A_28] : memref<1x128xf32, #tpu.memory_space<vmem>>, vector<1x128xf32>
    %add3A_30 = vector.broadcast %get3A_29 : vector<1x128xf32> to vector<2000x128xf32>
    %add3A_31 = arith.addf %mul3A_26, %add3A_30 : vector<2000x128xf32>
    %max3A = arith.constant 0.000000e+00 : f32
    %max3A_32 = vector.broadcast %max3A : f32 to vector<2000x128xf32>
    %max3A_33 = arith.maximumf %add3A_31, %max3A_32 : vector<2000x128xf32>
    %get3A_34 = arith.constant 0 : index
    %get3A_35 = arith.constant 0 : index
    %get3A_36 = vector.load %arg5[%get3A_34, %get3A_35] : memref<128x128xf32, #tpu.memory_space<vmem>>, vector<128x128xf32>
    %dot_general3A = arith.constant dense<0.000000e+00> : vector<2000x128xf32>
    %dot_general3A_37 = tpu.matmul %max3A_33, %get3A_36, %dot_general3A {dimension_numbers = #tpu.dot_dimension_numbers<[1], [0], [0], [1], [0, 0, 1, 1], [], []>, transpose_lhs_hint = false} : vector<2000x128xf32>, vector<128x128xf32>, vector<2000x128xf32> -> vector<2000x128xf32>
    %get3A_38 = arith.constant 0 : index
    %get3A_39 = arith.constant 0 : index
    %get3A_40 = vector.load %arg3[%get3A_38, %get3A_39] : memref<2000x1xf32, #tpu.memory_space<vmem>>, vector<2000x1xf32>
    %mul3A_41 = vector.broadcast %get3A_40 : vector<2000x1xf32> to vector<2000x128xf32>
    %mul3A_42 = arith.mulf %dot_general3A_37, %mul3A_41 : vector<2000x128xf32>
    %convert_element_type3A_43 = arith.truncf %mul3A_42 : vector<2000x128xf32> to vector<2000x128xbf16>
    %slice3A = vector.extract_strided_slice %convert_element_type3A_43 {offsets = [0, 0], sizes = [2000, 64], strides = [1, 1]} : vector<2000x128xbf16> to vector<2000x64xbf16>
    %swap3A = arith.constant 0 : index
    %swap3A_44 = arith.constant 0 : index
    %swap3A_45 = arith.constant 0 : index
    %swap3A_46 = vector.load %arg6[%swap3A, %swap3A_44, %swap3A_45] : memref<2x2000x64xbf16, #tpu.memory_space<vmem>>, vector<1x2000x64xbf16>
    %swap3A_47 = vector.shape_cast %swap3A_46 : vector<1x2000x64xbf16> to vector<2000x64xbf16>
    %swap3A_48 = vector.shape_cast %slice3A : vector<2000x64xbf16> to vector<1x2000x64xbf16>
    tpu.vector_store %arg6[%swap3A, %swap3A_44, %swap3A_45], %swap3A_48 {strides = array<i32>} : memref<2x2000x64xbf16, #tpu.memory_space<vmem>>, vector<1x2000x64xbf16>,
    %slice3A_49 = vector.extract_strided_slice %convert_element_type3A_43 {offsets = [0, 64], sizes = [2000, 64], strides = [1, 1]} : vector<2000x128xbf16> to vector<2000x64xbf16>
    %swap3A_50 = arith.constant 1 : index
    %swap3A_51 = arith.constant 0 : index
    %swap3A_52 = arith.constant 0 : index
    %swap3A_53 = vector.load %arg6[%swap3A_50, %swap3A_51, %swap3A_52] : memref<2x2000x64xbf16, #tpu.memory_space<vmem>>, vector<1x2000x64xbf16>
    %swap3A_54 = vector.shape_cast %swap3A_53 : vector<1x2000x64xbf16> to vector<2000x64xbf16>
    %swap3A_55 = vector.shape_cast %slice3A_49 : vector<2000x64xbf16> to vector<1x2000x64xbf16>
    tpu.vector_store %arg6[%swap3A_50, %swap3A_51, %swap3A_52], %swap3A_55 {strides = array<i32>} : memref<2x2000x64xbf16, #tpu.memory_space<vmem>>, vector<1x2000x64xbf16>,
    return
  }
  func.func @transform_0(%arg0: i32) -> (i32, i32, i32) {
    %c0_i32 = arith.constant 0 : i32
    %c0_i32_0 = arith.constant 0 : i32
    %c0_i32_1 = arith.constant 0 : i32
    return %c0_i32, %arg0, %c0_i32_0 : i32, i32, i32
  }
  func.func @transform_1(%arg0: i32) -> (i32, i32, i32) {
    %c0_i32 = arith.constant 0 : i32
    %c0_i32_0 = arith.constant 0 : i32
    %c0_i32_1 = arith.constant 0 : i32
    return %c0_i32, %arg0, %c0_i32_0 : i32, i32, i32
  }
  func.func @transform_2(%arg0: i32) -> (i32, i32) {
    %c0_i32 = arith.constant 0 : i32
    %c0_i32_0 = arith.constant 0 : i32
    return %arg0, %c0_i32 : i32, i32
  }
  func.func @transform_3(%arg0: i32) -> (i32, i32) {
    %c0_i32 = arith.constant 0 : i32
    %c0_i32_0 = arith.constant 0 : i32
    %c0_i32_1 = arith.constant 0 : i32
    return %c0_i32, %c0_i32_0 : i32, i32
  }
  func.func @transform_4(%arg0: i32) -> (i32, i32) {
    %c0_i32 = arith.constant 0 : i32
    %c0_i32_0 = arith.constant 0 : i32
    %c0_i32_1 = arith.constant 0 : i32
    return %c0_i32, %c0_i32_0 : i32, i32
  }
  func.func @transform_5(%arg0: i32) -> (i32, i32, i32) {
    %c0_i32 = arith.constant 0 : i32
    %c0_i32_0 = arith.constant 0 : i32
    %c0_i32_1 = arith.constant 0 : i32
    return %c0_i32, %arg0, %c0_i32_0 : i32, i32, i32
  }
}

module attributes {stable_mosaic.version = 14 : i64} {
  func.func @_final_body(%arg0: i32, %arg1: memref<2x2000x64xbf16, #tpu.memory_space<vmem>>, %arg2: memref<2x2000x64xbf16, #tpu.memory_space<vmem>>, %arg3: memref<2000x1xf32, #tpu.memory_space<vmem>>, %arg4: memref<1x128xf32, #tpu.memory_space<vmem>>, %arg5: memref<2000x1xi32, #tpu.memory_space<vmem>>, %arg6: memref<128x256xf32, #tpu.memory_space<vmem>>, %arg7: memref<1x256xf32, #tpu.memory_space<vmem>>, %arg8: memref<256x5xf32, #tpu.memory_space<vmem>>, %arg9: memref<1x5xf32, #tpu.memory_space<vmem>>, %arg10: memref<64x5xf32, #tpu.memory_space<vmem>>, %arg11: memref<64x128xf32, #tpu.memory_space<vmem>>, %arg12: memref<64x1xf32, #tpu.memory_space<vmem>>) attributes {dimension_semantics = [#tpu.dimension_semantics<arbitrary>], iteration_bounds = array<i64: 5>, scalar_prefetch = 0 : i64, scratch_operands = 2 : i64, tpu.core_type = #tpu.core_type<tc>, window_params = [{transform_indices = @transform_0, window_bounds = array<i64: 2, 2000, 64>}, {transform_indices = @transform_1, window_bounds = array<i64: 2, 2000, 64>}, {transform_indices = @transform_2, window_bounds = array<i64: 2000, 1>}, {pipeline_mode = #tpu.pipeline_mode<synchronous>, transform_indices = @transform_3, window_bounds = array<i64: 1, 128>}, {transform_indices = @transform_4, window_bounds = array<i64: 2000, 1>}, {pipeline_mode = #tpu.pipeline_mode<synchronous>, transform_indices = @transform_5, window_bounds = array<i64: 128, 256>}, {pipeline_mode = #tpu.pipeline_mode<synchronous>, transform_indices = @transform_6, window_bounds = array<i64: 1, 256>}, {pipeline_mode = #tpu.pipeline_mode<synchronous>, transform_indices = @transform_7, window_bounds = array<i64: 256, 5>}, {pipeline_mode = #tpu.pipeline_mode<synchronous>, transform_indices = @transform_8, window_bounds = array<i64: 1, 5>}, {pipeline_mode = #tpu.pipeline_mode<synchronous>, transform_indices = @transform_9, window_bounds = array<i64: 64, 5>}]} {
    %eq3A = arith.constant 0 : i32
    %eq3A_0 = arith.cmpi eq, %arg0, %eq3A : i32
    %convert_element_type3A = arith.extui %eq3A_0 : i1 to i32
    %cond3A = arith.constant 0 : i32
    %cond3A_1 = arith.cmpi ne, %convert_element_type3A, %cond3A : i32
    scf.if %cond3A_1 {
      %broadcast_in_dim3A_66 = arith.constant 0.000000e+00 : f32
      %broadcast_in_dim3A_67 = vector.broadcast %broadcast_in_dim3A_66 : f32 to vector<64x128xf32>
      %swap3A_68 = arith.constant 0 : index
      %swap3A_69 = arith.constant 0 : index
      %swap3A_70 = vector.load %arg11[%swap3A_68, %swap3A_69] : memref<64x128xf32, #tpu.memory_space<vmem>>, vector<64x128xf32>
      tpu.vector_store %arg11[%swap3A_68, %swap3A_69], %broadcast_in_dim3A_67 {strides = array<i32>} : memref<64x128xf32, #tpu.memory_space<vmem>>, vector<64x128xf32>,
      %broadcast_in_dim3A_71 = arith.constant 0.000000e+00 : f32
      %broadcast_in_dim3A_72 = vector.broadcast %broadcast_in_dim3A_71 : f32 to vector<64x1xf32>
      %swap3A_73 = arith.constant 0 : index
      %swap3A_74 = arith.constant 0 : index
      %swap3A_75 = vector.load %arg12[%swap3A_73, %swap3A_74] : memref<64x1xf32, #tpu.memory_space<vmem>>, vector<64x1xf32>
      tpu.vector_store %arg12[%swap3A_73, %swap3A_74], %broadcast_in_dim3A_72 {strides = array<i32>} : memref<64x1xf32, #tpu.memory_space<vmem>>, vector<64x1xf32>,
    } else {
    }
    %get3A = arith.constant 0 : index
    %get3A_2 = arith.constant 0 : index
    %get3A_3 = arith.constant 0 : index
    %get3A_4 = vector.load %arg1[%get3A, %get3A_2, %get3A_3] : memref<2x2000x64xbf16, #tpu.memory_space<vmem>>, vector<1x2000x64xbf16>
    %get3A_5 = vector.shape_cast %get3A_4 : vector<1x2000x64xbf16> to vector<2000x64xbf16>
    %convert_element_type3A_6 = arith.extf %get3A_5 : vector<2000x64xbf16> to vector<2000x64xf32>
    %get3A_7 = arith.constant 0 : index
    %get3A_8 = arith.constant 0 : index
    %get3A_9 = arith.constant 0 : index
    %get3A_10 = vector.load %arg2[%get3A_7, %get3A_8, %get3A_9] : memref<2x2000x64xbf16, #tpu.memory_space<vmem>>, vector<1x2000x64xbf16>
    %get3A_11 = vector.shape_cast %get3A_10 : vector<1x2000x64xbf16> to vector<2000x64xbf16>
    %convert_element_type3A_12 = arith.extf %get3A_11 : vector<2000x64xbf16> to vector<2000x64xf32>
    %add3A = arith.addf %convert_element_type3A_6, %convert_element_type3A_12 : vector<2000x64xf32>
    %get3A_13 = arith.constant 1 : index
    %get3A_14 = arith.constant 0 : index
    %get3A_15 = arith.constant 0 : index
    %get3A_16 = vector.load %arg1[%get3A_13, %get3A_14, %get3A_15] : memref<2x2000x64xbf16, #tpu.memory_space<vmem>>, vector<1x2000x64xbf16>
    %get3A_17 = vector.shape_cast %get3A_16 : vector<1x2000x64xbf16> to vector<2000x64xbf16>
    %convert_element_type3A_18 = arith.extf %get3A_17 : vector<2000x64xbf16> to vector<2000x64xf32>
    %get3A_19 = arith.constant 1 : index
    %get3A_20 = arith.constant 0 : index
    %get3A_21 = arith.constant 0 : index
    %get3A_22 = vector.load %arg2[%get3A_19, %get3A_20, %get3A_21] : memref<2x2000x64xbf16, #tpu.memory_space<vmem>>, vector<1x2000x64xbf16>
    %get3A_23 = vector.shape_cast %get3A_22 : vector<1x2000x64xbf16> to vector<2000x64xbf16>
    %convert_element_type3A_24 = arith.extf %get3A_23 : vector<2000x64xbf16> to vector<2000x64xf32>
    %add3A_25 = arith.addf %convert_element_type3A_18, %convert_element_type3A_24 : vector<2000x64xf32>
    %concatenate3A = tpu.concatenate %add3A, %add3A_25 in 1 : vector<2000x64xf32>, vector<2000x64xf32> -> vector<2000x128xf32>
    %get3A_26 = arith.constant 0 : index
    %get3A_27 = arith.constant 0 : index
    %get3A_28 = vector.load %arg3[%get3A_26, %get3A_27] : memref<2000x1xf32, #tpu.memory_space<vmem>>, vector<2000x1xf32>
    %mul3A = vector.broadcast %get3A_28 : vector<2000x1xf32> to vector<2000x128xf32>
    %mul3A_29 = arith.mulf %concatenate3A, %mul3A : vector<2000x128xf32>
    %get3A_30 = arith.constant 0 : index
    %get3A_31 = arith.constant 0 : index
    %get3A_32 = vector.load %arg4[%get3A_30, %get3A_31] : memref<1x128xf32, #tpu.memory_space<vmem>>, vector<1x128xf32>
    %add3A_33 = vector.broadcast %get3A_32 : vector<1x128xf32> to vector<2000x128xf32>
    %add3A_34 = arith.addf %mul3A_29, %add3A_33 : vector<2000x128xf32>
    %max3A = arith.constant 0.000000e+00 : f32
    %max3A_35 = vector.broadcast %max3A : f32 to vector<2000x128xf32>
    %max3A_36 = arith.maximumf %add3A_34, %max3A_35 : vector<2000x128xf32>
    %iota3A = tpu.iota {dimensions = array<i32: 1>} : vector<2000x64xi32>
    %get3A_37 = arith.constant 0 : index
    %get3A_38 = arith.constant 0 : index
    %get3A_39 = vector.load %arg5[%get3A_37, %get3A_38] : memref<2000x1xi32, #tpu.memory_space<vmem>>, vector<2000x1xi32>
    %eq3A_40 = vector.broadcast %get3A_39 : vector<2000x1xi32> to vector<2000x64xi32>
    %eq3A_41 = arith.cmpi eq, %eq3A_40, %iota3A : vector<2000x64xi32>
    %convert_element_type3A_42 = arith.extui %eq3A_41 : vector<2000x64xi1> to vector<2000x64xi32>
    %convert_element_type3A_43 = arith.sitofp %convert_element_type3A_42 : vector<2000x64xi32> to vector<2000x64xf32>
    %get3A_44 = arith.constant 0 : index
    %get3A_45 = arith.constant 0 : index
    %get3A_46 = vector.load %arg11[%get3A_44, %get3A_45] : memref<64x128xf32, #tpu.memory_space<vmem>>, vector<64x128xf32>
    %dot_general3A = arith.constant dense<0.000000e+00> : vector<64x128xf32>
    %dot_general3A_47 = tpu.matmul %convert_element_type3A_43, %max3A_36, %dot_general3A {dimension_numbers = #tpu.dot_dimension_numbers<[0], [0], [1], [1], [0, 1, 1, 1], [], []>, transpose_lhs_hint = false} : vector<2000x64xf32>, vector<2000x128xf32>, vector<64x128xf32> -> vector<64x128xf32>
    %add3A_48 = arith.addf %get3A_46, %dot_general3A_47 : vector<64x128xf32>
    %swap3A = arith.constant 0 : index
    %swap3A_49 = arith.constant 0 : index
    %swap3A_50 = vector.load %arg11[%swap3A, %swap3A_49] : memref<64x128xf32, #tpu.memory_space<vmem>>, vector<64x128xf32>
    tpu.vector_store %arg11[%swap3A, %swap3A_49], %add3A_48 {strides = array<i32>} : memref<64x128xf32, #tpu.memory_space<vmem>>, vector<64x128xf32>,
    %get3A_51 = arith.constant 0 : index
    %get3A_52 = arith.constant 0 : index
    %get3A_53 = vector.load %arg12[%get3A_51, %get3A_52] : memref<64x1xf32, #tpu.memory_space<vmem>>, vector<64x1xf32>
    %broadcast_in_dim3A = arith.constant 1.000000e+00 : f32
    %broadcast_in_dim3A_54 = vector.broadcast %broadcast_in_dim3A : f32 to vector<2000x1xf32>
    %dot_general3A_55 = arith.constant dense<0.000000e+00> : vector<64x1xf32>
    %dot_general3A_56 = tpu.matmul %convert_element_type3A_43, %broadcast_in_dim3A_54, %dot_general3A_55 {dimension_numbers = #tpu.dot_dimension_numbers<[0], [0], [1], [1], [0, 1, 1, 1], [], []>, transpose_lhs_hint = false} : vector<2000x64xf32>, vector<2000x1xf32>, vector<64x1xf32> -> vector<64x1xf32>
    %add3A_57 = arith.addf %get3A_53, %dot_general3A_56 : vector<64x1xf32>
    %swap3A_58 = arith.constant 0 : index
    %swap3A_59 = arith.constant 0 : index
    %swap3A_60 = vector.load %arg12[%swap3A_58, %swap3A_59] : memref<64x1xf32, #tpu.memory_space<vmem>>, vector<64x1xf32>
    tpu.vector_store %arg12[%swap3A_58, %swap3A_59], %add3A_57 {strides = array<i32>} : memref<64x1xf32, #tpu.memory_space<vmem>>, vector<64x1xf32>,
    %eq3A_61 = arith.constant 4 : i32
    %eq3A_62 = arith.cmpi eq, %arg0, %eq3A_61 : i32
    %convert_element_type3A_63 = arith.extui %eq3A_62 : i1 to i32
    %cond3A_64 = arith.constant 0 : i32
    %cond3A_65 = arith.cmpi ne, %convert_element_type3A_63, %cond3A_64 : i32
    scf.if %cond3A_65 {
      %get3A_66 = arith.constant 0 : index
      %get3A_67 = arith.constant 0 : index
      %get3A_68 = vector.load %arg11[%get3A_66, %get3A_67] : memref<64x128xf32, #tpu.memory_space<vmem>>, vector<64x128xf32>
      %get3A_69 = arith.constant 0 : index
      %get3A_70 = arith.constant 0 : index
      %get3A_71 = vector.load %arg12[%get3A_69, %get3A_70] : memref<64x1xf32, #tpu.memory_space<vmem>>, vector<64x1xf32>
      %max3A_72 = arith.constant 1.000000e+00 : f32
      %max3A_73 = vector.broadcast %max3A_72 : f32 to vector<64x1xf32>
      %max3A_74 = arith.maximumf %get3A_71, %max3A_73 : vector<64x1xf32>
      %div3A = vector.broadcast %max3A_74 : vector<64x1xf32> to vector<64x128xf32>
      %div3A_75 = arith.divf %get3A_68, %div3A : vector<64x128xf32>
      %get3A_76 = arith.constant 0 : index
      %get3A_77 = arith.constant 0 : index
      %get3A_78 = vector.load %arg6[%get3A_76, %get3A_77] : memref<128x256xf32, #tpu.memory_space<vmem>>, vector<128x256xf32>
      %dot_general3A_79 = arith.constant dense<0.000000e+00> : vector<64x256xf32>
      %dot_general3A_80 = tpu.matmul %div3A_75, %get3A_78, %dot_general3A_79 {dimension_numbers = #tpu.dot_dimension_numbers<[1], [0], [0], [1], [0, 0, 1, 1], [], []>, transpose_lhs_hint = false} : vector<64x128xf32>, vector<128x256xf32>, vector<64x256xf32> -> vector<64x256xf32>
      %get3A_81 = arith.constant 0 : index
      %get3A_82 = arith.constant 0 : index
      %get3A_83 = vector.load %arg7[%get3A_81, %get3A_82] : memref<1x256xf32, #tpu.memory_space<vmem>>, vector<1x256xf32>
      %add3A_84 = vector.broadcast %get3A_83 : vector<1x256xf32> to vector<64x256xf32>
      %add3A_85 = arith.addf %dot_general3A_80, %add3A_84 : vector<64x256xf32>
      %max3A_86 = arith.constant 0.000000e+00 : f32
      %max3A_87 = vector.broadcast %max3A_86 : f32 to vector<64x256xf32>
      %max3A_88 = arith.maximumf %add3A_85, %max3A_87 : vector<64x256xf32>
      %get3A_89 = arith.constant 0 : index
      %get3A_90 = arith.constant 0 : index
      %get3A_91 = vector.load %arg8[%get3A_89, %get3A_90] : memref<256x5xf32, #tpu.memory_space<vmem>>, vector<256x5xf32>
      %dot_general3A_92 = arith.constant dense<0.000000e+00> : vector<64x5xf32>
      %dot_general3A_93 = tpu.matmul %max3A_88, %get3A_91, %dot_general3A_92 {dimension_numbers = #tpu.dot_dimension_numbers<[1], [0], [0], [1], [0, 0, 1, 1], [], []>, transpose_lhs_hint = false} : vector<64x256xf32>, vector<256x5xf32>, vector<64x5xf32> -> vector<64x5xf32>
      %get3A_94 = arith.constant 0 : index
      %get3A_95 = arith.constant 0 : index
      %get3A_96 = vector.load %arg9[%get3A_94, %get3A_95] : memref<1x5xf32, #tpu.memory_space<vmem>>, vector<1x5xf32>
      %add3A_97 = vector.broadcast %get3A_96 : vector<1x5xf32> to vector<64x5xf32>
      %add3A_98 = arith.addf %dot_general3A_93, %add3A_97 : vector<64x5xf32>
      %swap3A_99 = arith.constant 0 : index
      %swap3A_100 = arith.constant 0 : index
      %swap3A_101 = vector.load %arg10[%swap3A_99, %swap3A_100] : memref<64x5xf32, #tpu.memory_space<vmem>>, vector<64x5xf32>
      tpu.vector_store %arg10[%swap3A_99, %swap3A_100], %add3A_98 {strides = array<i32>} : memref<64x5xf32, #tpu.memory_space<vmem>>, vector<64x5xf32>,
    } else {
    }
    return
  }
  func.func @transform_0(%arg0: i32) -> (i32, i32, i32) {
    %c0_i32 = arith.constant 0 : i32
    %c0_i32_0 = arith.constant 0 : i32
    %c0_i32_1 = arith.constant 0 : i32
    return %c0_i32, %arg0, %c0_i32_0 : i32, i32, i32
  }
  func.func @transform_1(%arg0: i32) -> (i32, i32, i32) {
    %c0_i32 = arith.constant 0 : i32
    %c0_i32_0 = arith.constant 0 : i32
    %c0_i32_1 = arith.constant 0 : i32
    return %c0_i32, %arg0, %c0_i32_0 : i32, i32, i32
  }
  func.func @transform_2(%arg0: i32) -> (i32, i32) {
    %c0_i32 = arith.constant 0 : i32
    %c0_i32_0 = arith.constant 0 : i32
    return %arg0, %c0_i32 : i32, i32
  }
  func.func @transform_3(%arg0: i32) -> (i32, i32) {
    %c0_i32 = arith.constant 0 : i32
    %c0_i32_0 = arith.constant 0 : i32
    %c0_i32_1 = arith.constant 0 : i32
    return %c0_i32, %c0_i32_0 : i32, i32
  }
  func.func @transform_4(%arg0: i32) -> (i32, i32) {
    %c0_i32 = arith.constant 0 : i32
    %c0_i32_0 = arith.constant 0 : i32
    return %arg0, %c0_i32 : i32, i32
  }
  func.func @transform_5(%arg0: i32) -> (i32, i32) {
    %c0_i32 = arith.constant 0 : i32
    %c0_i32_0 = arith.constant 0 : i32
    %c0_i32_1 = arith.constant 0 : i32
    return %c0_i32, %c0_i32_0 : i32, i32
  }
  func.func @transform_6(%arg0: i32) -> (i32, i32) {
    %c0_i32 = arith.constant 0 : i32
    %c0_i32_0 = arith.constant 0 : i32
    %c0_i32_1 = arith.constant 0 : i32
    return %c0_i32, %c0_i32_0 : i32, i32
  }
  func.func @transform_7(%arg0: i32) -> (i32, i32) {
    %c0_i32 = arith.constant 0 : i32
    %c0_i32_0 = arith.constant 0 : i32
    %c0_i32_1 = arith.constant 0 : i32
    return %c0_i32, %c0_i32_0 : i32, i32
  }
  func.func @transform_8(%arg0: i32) -> (i32, i32) {
    %c0_i32 = arith.constant 0 : i32
    %c0_i32_0 = arith.constant 0 : i32
    %c0_i32_1 = arith.constant 0 : i32
    return %c0_i32, %c0_i32_0 : i32, i32
  }
  func.func @transform_9(%arg0: i32) -> (i32, i32) {
    %c0_i32 = arith.constant 0 : i32
    %c0_i32_0 = arith.constant 0 : i32
    %c0_i32_1 = arith.constant 0 : i32
    return %c0_i32, %c0_i32_0 : i32, i32
  }
}

</mosaic_0001>

<sc_bundles>
// kernel: kernel.12.cloned.1.call-start
scs
__scs_entry_jumppad:
0x0: {  	(pc) =	sbr.rel $0x88, $3  }
0x1: {  	(tag) =	ssettag $0x0;
	lr =	simm.s32 $0x1  }
0x2: {  	[smem:$0x3F96] =	sst lr;
	_ =	strace $0xD0000000  }
0x3: {  	_ = 	snop  }
0x4: {  	_ = 	snop  }
0x5: {  	_ = 	snop  }
0x6: {  	_ = 	snop  }
0x7: {  	_ = 	snop  }
__scs_overlays_trampoline_lowered:
0x8: {  	[smem:$0x3FA5] =	sst s0  }
0x9: {  	[smem:$0x3FA6] =	sst s1  }
0xa: {  	[smem:$0x3FA7] =	sst s2  }
0xb: {  	[smem:$0x3FA8] =	sst s3  }
0xc: {  	[smem:$0x3FA9] =	sst s4  }
0xd: {  	[smem:$0x3FAA] =	sst s5  }
0xe: {  	[smem:$0x3FAB] =	sst s6  }
0xf: {  	[smem:$0x3FAC] =	sst s7  }
0x10: {  	[smem:$0x3FAD] =	sst s8  }
0x11: {  	[smem:$0x3FAE] =	sst s9;
	s0 =	simm.s32 @!p0 $0x0  }
0x12: {  	s1 =	sld [smem:$0x3F94];
	s0 =	simm.s32 @p0 $0x1  }
0x13: {  	[smem:$0x3FAF] =	sst s0;
	s0 =	simm.s32 @!p1 $0x0  }
0x14: {  	s2 =	sld [smem:$0x3F93];
	s0 =	simm.s32 @p1 $0x1  }
0x15: {  	[smem:$0x3FB0] =	sst s0;
	s0 =	simm.s32 @!p2 $0x0  }
0x16: {  	s3 =	sld [smem:$0x3FDB];
	s0 =	simm.s32 @p2 $0x1  }
0x17: {  	s4 =	simm.s32 $0x1BF5;
	[smem:$0x3FB2] =	sst s0  }
0x18: {  	s0 =	sld [smem:$0x3F95];
	_ =	swait.ge [sflag:s4], $0x0  }
0x19: {  	s7 =	sld [smem:$0x3F96]  }
0x1a: {  	s8 =	sadd.s32 $0xFFFFE003, lr  }
0x1b: {  	s9 =	sadd.s32 $0xFFFFFEF7, lr;
	s5 =	simm.s32 $0xFFFFFFFF;
	p2 =	slt.u32 s8, $0xFFFFF086  }
0x1c: {  	p1 =	slt.u32 s9, $0xF7A;
	s5 =	simm.s32 @!p2 $0x0  }
0x1d: {  	s5 =	simm.s32 @p1 $0x1;
	p0 =	seq.s32 s7, s2  }
0x1e: {  	s7 =	smul.u32 @!p0 $0xF7A, s2;
	p2 =	seq.s32 @!p0 s5, $0x0  }
0x1f: {  	s9 =	smul.u32 $0xF7A, s1;
	s8 =	simm.s32 @!p0 $0x1BF5;
	p2 =	por !p2, p0  }
0x20: {  	[sflag:s8] =	ssyncset.s32 @!p0 $0xFFFFF086;
	s6 =	sadd.s32 @!p0 s3, s7;
	s7 =	simm.s32 @!p0 $0x108  }
0x21: {  	s3 =	sadd.s32 s3, s9;
	s6 =	sadd.s32 @!p0 $0x88, s6;
	s7 =	simm.s32 @p2 $0x1082  }
0x22: {  	[simem:s7], [sflag:s8] =	dma.local @!p0 [hbm:s6], $0xF7A  }
0x23: {  	s9 =	sor.u32 $0xD0000000, s2;
	s6 =	simm.s32 $0x108;
	_ =	swait.ge @!p0 [sflag:s8], $0x0  }
0x24: {  	s3 =	sadd.s32 $0x88, s3;
	s6 =	simm.s32 @!p1 $0x1082;
	[sflag:s4] =	ssyncset.s32 $0xFFFFF086  }
0x25: {  	[simem:s6], [sflag:s4] =	dma.local [hbm:s3], $0xF7A  }
0x26: {  	[smem:$0x3F96] =	sst s1;
	(tag) =	ssettag s2;
	_ =	strace s9  }
0x27: {  	s1 =	sld [smem:$0x3FA6]  }
0x28: {  	s2 =	sld [smem:$0x3FA7]  }
0x29: {  	s4 =	sld [smem:$0x3FA9]  }
0x2a: {  	p0 =	seq.s32 s5, $0x0;
	s5 =	sld [smem:$0x3FAA]  }
0x2b: {  	s6 =	sld [smem:$0x3FAB]  }
0x2c: {  	s7 =	sld [smem:$0x3FAC]  }
0x2d: {  	s3 =	simm.s32 $0x108;
	s8 =	sld [smem:$0x3FAD]  }
0x2e: {  	s3 =	simm.s32 @!p0 $0x1082;
	s9 =	sld [smem:$0x3FAE]  }
0x2f: {  	lr =	sadd.s32 s0, s3;
	s0 =	sld [smem:$0x3FA5]  }
0x30: {  	s3 =	sld [smem:$0x3FA8]  }
0x31: {  	[smem:$0x3FB1] =	sst s10  }
0x32: {  	s10 =	sld [smem:$0x3FAF];
	_ =	sdelay $0x3  }
0x33: {  	p0 =	seq.s32 s10, $0x1;
	s10 =	sld [smem:$0x3FB1];
	_ =	sdelay $0x3  }
0x34: {  	[smem:$0x3FB1] =	sst s10  }
0x35: {  	s10 =	sld [smem:$0x3FB0];
	_ =	sdelay $0x3  }
0x36: {  	p1 =	seq.s32 s10, $0x1;
	s10 =	sld [smem:$0x3FB1];
	_ =	sdelay $0x3  }
0x37: {  	[smem:$0x3FB1] =	sst s10  }
0x38: {  	s10 =	sld [smem:$0x3FB2]  }
0x39: {  	_ = 	snop;
	(pc) =	sbr.ind lr, $3  }
0x3a: {  	_ = 	snop  }
0x3b: {  	_ = 	snop  }
0x3c: {  	p2 =	seq.s32 s10, $0x1;
	s10 =	sld [smem:$0x3FB1]  }
0x3d: {  	_ =	shalt  }
0x3e: {  	_ =	shalt  }
0x3f: {  	_ =	shalt  }
0x40: {  	_ =	shalt  }
0x41: {  	_ =	shalt  }
0x42: {  	_ =	shalt  }
0x43: {  	_ =	shalt  }
0x44: {  	_ =	shalt  }
0x45: {  	_ =	shalt  }
0x46: {  	_ =	shalt  }
0x47: {  	_ =	shalt  }
0x48: {  	_ =	shalt  }
0x49: {  	_ =	shalt  }
0x4a: {  	_ =	shalt  }
0x4b: {  	_ =	shalt  }
0x4c: {  	_ =	shalt  }
0x4d: {  	_ =	shalt  }
0x4e: {  	_ =	shalt  }
0x4f: {  	_ =	shalt  }
0x50: {  	_ =	shalt  }
0x51: {  	_ =	shalt  }
0x52: {  	_ =	shalt  }
0x53: {  	_ =	shalt  }
0x54: {  	_ =	shalt  }
0x55: {  	_ =	shalt  }
0x56: {  	_ =	shalt  }
0x57: {  	_ =	shalt  }
0x58: {  	_ =	shalt  }
0x59: {  	_ =	shalt  }
0x5a: {  	_ =	shalt  }
0x5b: {  	_ =	shalt  }
0x5c: {  	_ =	shalt  }
0x5d: {  	_ =	shalt  }
0x5e: {  	_ =	shalt  }
0x5f: {  	_ =	shalt  }
0x60: {  	_ =	shalt  }
0x61: {  	_ =	shalt  }
0x62: {  	_ =	shalt  }
0x63: {  	_ =	shalt  }
0x64: {  	_ =	shalt  }
0x65: {  	_ =	shalt  }
0x66: {  	_ =	shalt  }
0x67: {  	_ =	shalt  }
0x68: {  	_ =	shalt  }
0x69: {  	_ =	shalt  }
0x6a: {  	_ =	shalt  }
0x6b: {  	_ =	shalt  }
0x6c: {  	_ =	shalt  }
0x6d: {  	_ =	shalt  }
0x6e: {  	_ =	shalt  }
0x6f: {  	_ =	shalt  }
0x70: {  	_ =	shalt  }
0x71: {  	_ =	shalt  }
0x72: {  	_ =	shalt  }
0x73: {  	_ =	shalt  }
0x74: {  	_ =	shalt  }
0x75: {  	_ =	shalt  }
0x76: {  	_ =	shalt  }
0x77: {  	_ =	shalt  }
0x78: {  	_ =	shalt  }
0x79: {  	_ =	shalt  }
0x7a: {  	_ =	shalt  }
0x7b: {  	_ =	shalt  }
0x7c: {  	_ =	shalt  }
0x7d: {  	_ =	shalt  }
0x7e: {  	_ =	shalt  }
0x7f: {  	_ =	shalt  }
0x80: {  	_ =	shalt  }
0x81: {  	_ =	shalt  }
0x82: {  	_ =	shalt  }
0x83: {  	_ =	shalt  }
0x84: {  	_ =	shalt  }
0x85: {  	_ =	shalt  }
0x86: {  	_ =	shalt  }
0x87: {  	_ =	shalt  }
.Lfunc_end0:
.L_simem_size_0:
called_computation.1_lowered:
.L_overlay_start_0:
0x88: {  	s2 =	sld [smem:$0x3FD9]  }
0x89: {  	s3 =	sld [smem:$0x3FFE];
	_ =	sdelay $0x1  }
0x8a: {  	s1 =	srdreg.scid  }
0x8b: {  	s0 =	sand.u32 $0x1, s1  }
0x8c: {  	s16 =	sshll.u32 s0, $0xA;
	s2 =	sadd.s32 s3, s2  }
0x8d: {  	s2 =	sadd.s32 s2, s16  }
0x8e: {  	[smem:$0x3FBD] =	sst s2  }
0x8f: {  	_ = 	snop  }
0x90: {  	(tm) =	ssettm $0x1  }
0x91: {  	s17 =	sld [smem:$0x3FFB];
	_ =	sdelay $0x3  }
0x92: {  	_ =	strace s17  }
0x93: {  	s2 =	sld [smem:$0x3FFC];
	_ =	sdelay $0x3  }
0x94: {  	_ =	strace s2  }
0x95: {  	s2 =	sld [smem:$0x3FFD];
	_ =	sdelay $0x3  }
0x96: {  	_ =	strace s2  }
0x97: {  	_ =	strace $0x8FFFFFFF  }
0x98: {  	s18 =	sld [smem:$0x3FDB];
	_ =	sdelay $0x1  }
0x99: {  	s19 =	simm.s32 $_scs_section_size  }
0x9a: {  	s4 =	simm.s32 $_size__tile_overlayer_lowered;
	s5 =	simm.s32 $_tile_overlayer_lowered  }
0x9b: {  	s22 =	simm.s32 $0x1BFF;
	s21 =	sshll.u32 s5, $0x1;
	s2 =	sadd.s32 s19, s18  }
0x9c: {  	s6 =	simm.s32 $0x0;
	s20 =	sshll.u32 s4, $0x1;
	s4 =	sadd.s32 s21, s2  }
0x9d: {  	[timem:s6], [sflag:s22] =	dma.local [hbm:s4], s20  }
0x9e: {  	_ =	swait.ge [sflag:s22], s20  }
0x9f: {  	s3 =	ssub.s32 $0x0, s20;
	[sflag:s22] =	ssyncset.done $0x0  }
0xa0: {  	[sflag:s22] =	ssyncadd.s32 s3;
	_ =	sdelay $0x1  }
0xa1: {  	s23 =	simm.s32 $0x1B8B  }
0xa2: {  	_ =	swait.ge [sflag:s23], $0x1  }
0xa3: {  	[sflag:s23] =	ssyncset.done $0x0  }
0xa4: {  	s25 =	simm.s32 $0x1B8E;
	s24 =	sld [smem:$0x3FFE];
	[sflag:s23] =	ssyncadd.s32 $0xFFFFFFFF  }
0xa5: {  	s26 =	simm.s32 $execute0_lowered;
	[smem:$0x3FD2] =	sst s25  }
0xa6: {  	s4 =	sshll.u32 s26, $0x1;
	_ =	strace $0x80000049;
	[dreg:$0x1] =	wrdreg $0xFFFFFFFF  }
0xa7: {  	s28 =	simm.s32 $_size_execute0_lowered;
	s2 =	sadd.s32 s2, s4;
	[dreg:$0x0] =	wrdreg $0x0  }
0xa8: {  	s4 =	sshll.u32 s28, $0x1;
	[dreg:$0x2] =	wrdreg s2  }
0xa9: {  	[dreg:$0x3] =	wrdreg s4  }
0xaa: {  	[dreg:$0x4] =	wrdreg $0xC0  }
0xab: {  	_ =	task [dreg:s6], $0x5FFFF  }
0xac: {  	[dreg:$0x1] =	wrdreg $0xFFFFFFFF  }
0xad: {  	[dreg:$0x0] =	wrdreg $0x60  }
0xae: {  	[dreg:$0x2] =	wrdreg s24  }
0xaf: {  	[dreg:$0x3] =	wrdreg $0xF0000  }
0xb0: {  	[dreg:$0x4] =	wrdreg $0x9  }
0xb1: {  	_ =	task.clear_ibuf [dreg:s6], $0x5FFFF;
	_ =	strace $0x90000049  }
0xb2: {  	s29 =	simm.s32 $0x9;
	_ =	strace $0x8000004B  }
0xb3: {  	_ =	swait.ge [sflag:s29], $0x1  }
0xb4: {  	[sflag:s29] =	ssyncadd.s32 $0xFFFFFFFF  }
0xb5: {  	_ =	strace $0x9000004B  }
0xb6: {  	_ =	sfence  }
0xb7: {  	s30 =	sld [smem:$0x0];
	_ =	sdelay $0x2  }
0xb8: {  	s31 =	sshll.u32 s1, $0xD;
	s1 =	sshrl.u32 s1, $0x2  }
0xb9: {  	s3 =	sand.u32 $0x4000, s31;
	s1 =	sadd.s32 s1, s30  }
0xba: {  	s0 =	sor.u32 s3, s0;
	s1 =	sshll.u32 s1, $0x11  }
0xbb: {  	s0 =	sor.u32 s1, s0  }
0xbc: {  	s0 =	sadd.s32 $0x8F2B, s0  }
0xbd: {  	[sflag:s0] =	ssyncadd.remote.s32 $0x1  }
0xbe: {  	_ =	sfence.sel $0xFFFF  }
0xbf: {  	[dreg:$0x0] =	wrdreg $0xFFFFFFFF;
	(pc) =	sbr.abs _section_cstart, $3  }
0xc0: {  	[dreg:$0x1] =	wrdreg $0xFFFFFFFF  }
0xc1: {  	_ =	task.clear_ibuf [dreg:s6], $0x2FFFF;
	_ =	strace $0x9FFFFFFF  }
0xc2: {  	(tm) =	ssettm $0x7FFFFFFF  }
0xc3: {  	_ =	shalt  }
tec
execute0_lowered:
.L_overlay_start_1:
0x0: {  	(tag) =	ssettag $0x1  }
0x1: {  	s0 =	srdreg.scid;
	s1 =	rddreg [dreg:$0x0]  }
0x2: {  	s7 =	stileid.u32;
	s2 =	rddreg [dreg:$0x1]  }
0x3: {  	s6 =	simm.s32 $0x0;
	s14 =	simm.s32 $0x9;
	s15 =	simm.s32 $0x5000  }
0x4: {  	s16 =	simm.s32 $0xE000;
	s17 =	simm.s32 $0x80;
	s18 =	simm.s32 $0xA000  }
0x5: {  	s19 =	simm.s32 $0xB000;
	s21 =	simm.s32 $0xC000;
	s4 =	smul.u32 $0x5000, s7  }
0x6: {  	s29 =	simm.s32 $0x5;
	s31 =	simm.s32 $0x3;
	s8 =	smul.u32 $0xA000, s7  }
0x7: {  	s30 =	simm.s32 $0x7;
	s0 =	sand.u32 $0x1, s0;
	s7 =	smul.u32 $0x14000, s7  }
0x8: {  	s20 =	simm.s32 $0x8;
	s28 =	simm.s32 $0x0;
	s3 =	smul.u32 $0x9C80, s0  }
0x9: {  	[smem:$0x7FF] =	sst s6;
	s5 =	smul.u32 $0xA0000, s0;
	s0 =	ssub.s32 $0x2, s0  }
0xa: {  	_ =	strace $0x8000004A;
	s4 =	sshrl.u32 s4, $0x3;
	s22 =	sshrl.u32 s0, $0x1  }
0xb: {  	s24 =	sshrl.u32 s7, $0x2;
	s25 =	sshrl.u32 s8, $0x1;
	s3 =	sadd.s32 s3, s1  }
0xc: {  	s5 =	sadd.s32 s8, s5;
	s9 =	sadd.s32 s4, s1;
	s0 =	ssub.s32 s0, s22  }
0xd: {  	s6 =	sadd.s32 s24, s2;
	s26 =	sadd.s32 s25, s2;
	s22 =	simm.s32 $0x1  }
0xe: {  	s24 =	simm.s32 $0xD000;
	s5 =	sshrl.u32 s5, $0x4;
	s4 =	sadd.s32 $0x2800, s9  }
0xf: {  	s23 =	sadd.s32 $0xC800, s9;
	s7 =	sadd.s32 $0x16800, s3;
	s0 =	smax.u32 s0, $0x1  }
.Ltmp0:
0x10: {  	s10 =	sadd.s32 $0x1000, s6;
	s11 =	sadd.s32 $0x2000, s6;
	(pc) =	sbr.rel .LBB2_1-.Ltmp0, $4  }
0x11: {  	s12 =	sadd.s32 $0x3000, s6;
	s13 =	sadd.s32 $0x4000, s6;
	[dreg:$0x3] =	wrdreg s4  }
0x12: {  	s25 =	sshrl.u32 s26, $0x3;
	s1 =	sadd.s32 s5, s1;
	[dreg:$0x4] =	wrdreg s23  }
0x13: {  	s26 =	simm.s32 $0x2;
	[dreg:$0x6] =	wrdreg s0;
	s1 =	sadd.s32 $0x2A200, s1  }
0x14: {  	v0 =	vimm.bf16 $0.0e+00;
	s0 =	simm.s32 $0x6;
	s23 =	simm.s32 $0x4;
	[dreg:$0x5] =	wrdreg s1  }
.LBB2_6:
0x15: {  	_ =	swait.ge [sflag:s20], $0x1000  }
0x16: {  	[sflag:s20] =	ssyncset.done $0x0  }
0x17: {  	s1 =	stileid.u32;
	[sflag:s20] =	ssyncadd.s32 $0xFFFFF000  }
0x18: {  	s1 =	sshll.u32 s1, $0x6;
	[bflag:$0x0] =	sbarrier.arrive $0xFFFF  }
0x19: {  	s1 =	sor.u32 $0x1C09, s1;
	s3 =	rddreg [dreg:$0x5]  }
0x1a: {  	[hbm:s3], [sflag:s1] =	dma.local [spmem:s25], $0xA00  }
0x1b: {  	_ =	swait.ge [sflag:s14], $0xA00  }
0x1c: {  	s28 =	sadd.s32 $0x1, s28;
	s9 =	rddreg [dreg:$0x6]  }
0x1d: {  	p0 =	sne.s32 s28, s9  }
.Ltmp1:
0x1e: {  	_ = 	snop;
	(pc) =	sbr.rel @!p0 .LBB2_7-.Ltmp1, $3  }
0x1f: {  	_ =	sdelay $0x1  }
0x20: {  	[sflag:s14] =	ssyncset.done $0x0  }
0x21: {  	[sflag:s14] =	ssyncadd.s32 $0xFFFFF600  }
.LBB2_1:
0x22: {  	s1 =	simm.s32 $0x0;
	s3 =	rddreg [dreg:$0x3]  }
0x23: {  	[tilespmem:s1], [sflag:$0x9] =	stream.linear.gather [hbm4b:s3+s1], $0x5000, $0x38;
	[tilespmem:$0x14000] =	vst v63  }
0x24: {  	_ =	swait.ge [sflag:s14], $0x5000  }
0x25: {  	[sflag:s14] =	ssyncset.done $0x0  }
0x26: {  	s9 =	rddreg [dreg:$0x4];
	[sflag:s14] =	ssyncadd.s32 $0xFFFFB000  }
0x27: {  	[tilespmem:s15], [sflag:$0x9] =	stream.linear.gather [hbm4b:s9+s1], $0x5000, $0x38;
	[tilespmem:$0x14000] =	vst v63  }
0x28: {  	_ =	swait.ge [sflag:s14], $0x5000  }
0x29: {  	[sflag:s14] =	ssyncset.done $0x0  }
0x2a: {  	s3 =	simm.s32 $0x0;
	s1 =	simm.s32 $0x80;
	[sflag:s14] =	ssyncadd.s32 $0xFFFFB000  }
.LBB2_2:
0x2b: {  	p0 =	sne.s32 s1, $0x3F80;
	[tilespmem:s3+$0xE000] =	vst v0;
	s4 =	smov.u32 s1;
	s1 =	sadd.s32 $0x80, s1  }
.Ltmp2:
0x2c: {  	[tilespmem:s3+$0xE010] =	vst v0;
	(pc) =	sbr.rel @p0 .LBB2_2-.Ltmp2, $2  }
0x2d: {  	_ =	sdelay $0x2  }
0x2e: {  	s3 =	sshra.s32 s4, $0x2  }
0x2f: {  	[tilespmem:s3+$0xE000] =	vst v0  }
0x30: {  	[tilespmem:s3+$0xE010] =	vst v0  }
0x31: {  	[spmem:s6] =	stream.linear.scatter [tilespmem:s16], [sflag:$0x9], $0x1000, $0x38;
	[tilespmem:$0x14000] =	vst v63  }
0x32: {  	_ =	swait.ge [sflag:s14], $0x1000  }
0x33: {  	[sflag:s14] =	ssyncset.done $0x0  }
0x34: {  	[sflag:s14] =	ssyncadd.s32 $0xFFFFF000  }
0x35: {  	[spmem:s10] =	stream.linear.scatter [tilespmem:s16], [sflag:$0x9], $0x1000, $0x38;
	[tilespmem:$0x14000] =	vst v63  }
0x36: {  	_ =	swait.ge [sflag:s14], $0x1000  }
0x37: {  	[sflag:s14] =	ssyncset.done $0x0  }
0x38: {  	[sflag:s14] =	ssyncadd.s32 $0xFFFFF000  }
0x39: {  	[spmem:s11] =	stream.linear.scatter [tilespmem:s16], [sflag:$0x9], $0x1000, $0x38;
	[tilespmem:$0x14000] =	vst v63  }
0x3a: {  	_ =	swait.ge [sflag:s14], $0x1000  }
0x3b: {  	[sflag:s14] =	ssyncset.done $0x0  }
0x3c: {  	[sflag:s14] =	ssyncadd.s32 $0xFFFFF000  }
0x3d: {  	[spmem:s12] =	stream.linear.scatter [tilespmem:s16], [sflag:$0x9], $0x1000, $0x38;
	[tilespmem:$0x14000] =	vst v63  }
0x3e: {  	_ =	swait.ge [sflag:s14], $0x1000  }
0x3f: {  	[sflag:s14] =	ssyncset.done $0x0  }
0x40: {  	[sflag:s14] =	ssyncadd.s32 $0xFFFFF000  }
0x41: {  	[spmem:s13] =	stream.linear.scatter [tilespmem:s16], [sflag:$0x9], $0x1000, $0x38;
	[tilespmem:$0x14000] =	vst v63  }
0x42: {  	_ =	swait.ge [sflag:s14], $0x1000  }
0x43: {  	[sflag:s14] =	ssyncset.done $0x0  }
0x44: {  	[sflag:s14] =	ssyncadd.s32 $0xFFFFF000  }
0x45: {  	s1 =	simm.s32 $0x0;
	[bflag:$0x0] =	sbarrier.arrive $0xFFFF  }
0x46: {  	[tilespmem:s18], [sflag:$0x1] =	stream.indirect.gather [hbm4b:s7+s17], $0x20, s1, s17, $0xb8;
	[tilespmem:$0x14000] =	vst v63  }
0x47: {  	_ = 	snop  }
0x48: {  	[tilespmem:s19], [sflag:$0x2] =	stream.indirect.gather [hbm4b:s7+s17], $0x20, s17, s17, $0xb8;
	[tilespmem:$0x14000] =	vst v63  }
0x49: {  	s4 =	simm.s32 $0x100  }
0x4a: {  	[tilespmem:s21], [sflag:$0x3] =	stream.indirect.gather [hbm4b:s7+s17], $0x20, s4, s17, $0xb8;
	[tilespmem:$0x14000] =	vst v63  }
0x4b: {  	_ =	swait.ge [sflag:s22], $0x1000  }
0x4c: {  	[sflag:s22] =	ssyncset.done $0x0  }
0x4d: {  	[sflag:s22] =	ssyncadd.s32 $0xFFFFF000  }
0x4e: {  	[spmem:s2] =	stream.indirect.scatter.add.bf16 [tilespmem:s18], [sflag:$0x5], $0x20, s15, s17, $0xb8;
	[tilespmem:$0x14000] =	vst v63  }
0x4f: {  	s5 =	simm.s32 $0x180  }
0x50: {  	[tilespmem:s24], [sflag:$0x4] =	stream.indirect.gather [hbm4b:s7+s17], $0x20, s5, s17, $0xb8;
	[tilespmem:$0x14000] =	vst v63  }
0x51: {  	_ =	swait.ge [sflag:s26], $0x1000  }
0x52: {  	[sflag:s26] =	ssyncset.done $0x0  }
0x53: {  	s8 =	simm.s32 $0x5080;
	[sflag:s26] =	ssyncadd.s32 $0xFFFFF000  }
0x54: {  	[spmem:s2] =	stream.indirect.scatter.add.bf16 [tilespmem:s19], [sflag:$0x6], $0x20, s8, s17, $0xb8;
	[tilespmem:$0x14000] =	vst v63  }
0x55: {  	_ =	swait.ge [sflag:s29], $0x1000  }
0x56: {  	[sflag:s29] =	ssyncset.done $0x0  }
0x57: {  	s9 =	simm.s32 $0x200;
	[sflag:s29] =	ssyncadd.s32 $0xFFFFF000  }
0x58: {  	[tilespmem:s18], [sflag:$0x1] =	stream.indirect.gather [hbm4b:s7+s17], $0x20, s9, s17, $0xb8;
	[tilespmem:$0x14000] =	vst v63  }
0x59: {  	_ =	swait.ge [sflag:s31], $0x1000  }
0x5a: {  	[sflag:s31] =	ssyncset.done $0x0  }
0x5b: {  	s4 =	simm.s32 $0x5100;
	[sflag:s31] =	ssyncadd.s32 $0xFFFFF000  }
0x5c: {  	[spmem:s2] =	stream.indirect.scatter.add.bf16 [tilespmem:s21], [sflag:$0x7], $0x20, s4, s17, $0xb8;
	[tilespmem:$0x14000] =	vst v63  }
0x5d: {  	_ =	swait.ge [sflag:s0], $0x1000  }
0x5e: {  	[sflag:s0] =	ssyncset.done $0x0  }
0x5f: {  	s5 =	simm.s32 $0x280;
	[sflag:s0] =	ssyncadd.s32 $0xFFFFF000  }
0x60: {  	[tilespmem:s19], [sflag:$0x2] =	stream.indirect.gather [hbm4b:s7+s17], $0x20, s5, s17, $0xb8;
	[tilespmem:$0x14000] =	vst v63  }
0x61: {  	_ =	swait.ge [sflag:s23], $0x1000  }
0x62: {  	[sflag:s23] =	ssyncset.done $0x0  }
0x63: {  	s8 =	simm.s32 $0x5180;
	[sflag:s23] =	ssyncadd.s32 $0xFFFFF000  }
0x64: {  	[spmem:s2] =	stream.indirect.scatter.add.bf16 [tilespmem:s24], [sflag:$0x8], $0x20, s8, s17, $0xb8;
	[tilespmem:$0x14000] =	vst v63  }
0x65: {  	_ =	swait.ge [sflag:s30], $0x1000  }
0x66: {  	[sflag:s30] =	ssyncset.done $0x0  }
0x67: {  	s9 =	simm.s32 $0x300;
	[sflag:s30] =	ssyncadd.s32 $0xFFFFF000  }
0x68: {  	[tilespmem:s21], [sflag:$0x3] =	stream.indirect.gather [hbm4b:s7+s17], $0x20, s9, s17, $0xb8;
	[tilespmem:$0x14000] =	vst v63  }
.LBB2_4:
0x69: {  	_ =	swait.ge [sflag:s22], $0x1000  }
0x6a: {  	s3 =	sshra.s32 s1, $0x2;
	[sflag:s22] =	ssyncset.done $0x0  }
0x6b: {  	s4 =	sadd.s32 $0x5200, s3;
	[sflag:s22] =	ssyncadd.s32 $0xFFFFF000  }
0x6c: {  	[spmem:s2] =	stream.indirect.scatter.add.bf16 [tilespmem:s18], [sflag:$0x5], $0x20, s4, s17, $0xb8;
	[tilespmem:$0x14000] =	vst v63  }
0x6d: {  	_ =	swait.ge [sflag:s20], $0x1000  }
0x6e: {  	[sflag:s20] =	ssyncset.done $0x0  }
0x6f: {  	s5 =	sadd.s32 $0x380, s3;
	[sflag:s20] =	ssyncadd.s32 $0xFFFFF000  }
0x70: {  	[tilespmem:s24], [sflag:$0x4] =	stream.indirect.gather [hbm4b:s7+s17], $0x20, s5, s17, $0xb8;
	[tilespmem:$0x14000] =	vst v63  }
0x71: {  	_ =	swait.ge [sflag:s26], $0x1000  }
0x72: {  	[sflag:s26] =	ssyncset.done $0x0  }
0x73: {  	s8 =	sadd.s32 $0x5280, s3;
	[sflag:s26] =	ssyncadd.s32 $0xFFFFF000  }
0x74: {  	[spmem:s2] =	stream.indirect.scatter.add.bf16 [tilespmem:s19], [sflag:$0x6], $0x20, s8, s17, $0xb8;
	[tilespmem:$0x14000] =	vst v63  }
0x75: {  	_ =	swait.ge [sflag:s29], $0x1000  }
0x76: {  	p0 =	seq.s32 s1, $0x13000;
	[sflag:s29] =	ssyncset.done $0x0  }
0x77: {  	s4 =	simm.s32 @p0 $0x3;
	[sflag:s29] =	ssyncadd.s32 $0xFFFFF000  }
0x78: {  	_ =	swait.ge @p0 [sflag:s4], $0x1000  }
0x79: {  	[sflag:s4] =	ssyncset.done @p0 $0x0  }
0x7a: {  	[sflag:s4] =	ssyncadd.s32 @p0 $0xFFFFF000;
	s4 =	sshra.s32 @p0 s1, $0x2  }
0x7b: {  	s5 =	simm.s32 @p0 $0x80;
	s8 =	simm.s32 @p0 $0xC000;
	s4 =	sadd.s32 @p0 $0x5300, s4  }
0x7c: {  	[spmem:s2] =	stream.indirect.scatter.add.bf16 @p0 [tilespmem:s8], [sflag:$0x7], $0x20, s4, s5, $0xb8;
	[tilespmem:$0x14000] =	vst v63  }
0x7d: {  	s4 =	simm.s32 @p0 $0x6  }
0x7e: {  	_ =	swait.ge @p0 [sflag:s4], $0x1000  }
0x7f: {  	[sflag:s4] =	ssyncset.done @p0 $0x0  }
0x80: {  	[sflag:s4] =	ssyncadd.s32 @p0 $0xFFFFF000;
	s4 =	sshra.s32 @!p0 s1, $0x2  }
0x81: {  	s9 =	simm.s32 @!p0 $0xA000;
	s8 =	simm.s32 @!p0 $0x80;
	s5 =	sadd.s32 @!p0 $0x400, s4  }
0x82: {  	[tilespmem:s9], [sflag:$0x1] =	stream.indirect.gather @!p0 [hbm4b:s7+s8], $0x20, s5, s8, $0xb8;
	[tilespmem:$0x14000] =	vst v63  }
0x83: {  	s5 =	simm.s32 @!p0 $0x3  }
0x84: {  	_ =	swait.ge @!p0 [sflag:s5], $0x1000  }
0x85: {  	[sflag:s5] =	ssyncset.done @!p0 $0x0  }
0x86: {  	s9 =	simm.s32 @!p0 $0xC000;
	[sflag:s5] =	ssyncadd.s32 @!p0 $0xFFFFF000;
	s5 =	sadd.s32 @!p0 $0x5300, s4  }
0x87: {  	[spmem:s2] =	stream.indirect.scatter.add.bf16 @!p0 [tilespmem:s9], [sflag:$0x7], $0x20, s5, s8, $0xb8;
	[tilespmem:$0x14000] =	vst v63  }
0x88: {  	s5 =	simm.s32 @!p0 $0x6  }
0x89: {  	_ =	swait.ge @!p0 [sflag:s5], $0x1000  }
0x8a: {  	[sflag:s5] =	ssyncset.done @!p0 $0x0  }
0x8b: {  	s4 =	sadd.s32 @!p0 $0x480, s4;
	[sflag:s5] =	ssyncadd.s32 @!p0 $0xFFFFF000;
	s5 =	simm.s32 @!p0 $0xB000  }
0x8c: {  	[tilespmem:s5], [sflag:$0x2] =	stream.indirect.gather @!p0 [hbm4b:s7+s8], $0x20, s4, s8, $0xb8;
	[tilespmem:$0x14000] =	vst v63  }
0x8d: {  	_ =	swait.ge [sflag:s23], $0x1000  }
0x8e: {  	[sflag:s23] =	ssyncset.done $0x0  }
.Ltmp3:
0x8f: {  	s9 =	sadd.s32 $0x5380, s3;
	[sflag:s23] =	ssyncadd.s32 $0xFFFFF000;
	(pc) =	sbr.rel @p0 .LBB2_6-.Ltmp3, $4  }
0x90: {  	[spmem:s2] =	stream.indirect.scatter.add.bf16 [tilespmem:s24], [sflag:$0x8], $0x20, s9, s17, $0xb8;
	[tilespmem:$0x14000] =	vst v63  }
0x91: {  	_ =	swait.ge [sflag:s30], $0x1000  }
0x92: {  	[sflag:s30] =	ssyncset.done $0x0  }
0x93: {  	[sflag:s30] =	ssyncadd.s32 $0xFFFFF000  }
.Ltmp4:
0x94: {  	(pc) =	sbr.rel .LBB2_4-.Ltmp4, $3  }
0x95: {  	_ =	sdelay $0x1  }
0x96: {  	s3 =	sadd.s32 $0x500, s3;
	s1 =	sadd.s32 $0x800, s1  }
0x97: {  	[tilespmem:s21], [sflag:$0x3] =	stream.indirect.gather [hbm4b:s7+s17], $0x20, s3, s17, $0xb8;
	[tilespmem:$0x14000] =	vst v63  }
.LBB2_7:
0x98: {  	_ =	sfence.sel $0x180000  }
0x99: {  	[bflag:$0x0] =	sbarrier.arrive $0xFFFF  }
0x9a: {  	_ =	strace $0x9000004A  }
0x9b: {  	s0 =	stileid.u32;
	[bflag:$0x2] =	sbarrier.arrive $0xFFFF  }
0x9c: {  	p0 =	sne.s32 s0, $0x0;
	s0 =	rddreg [dreg:$0x2]  }
0x9d: {  	s0 =	sadd.s32 @!p0 $0x100000, s0  }
0x9e: {  	[sflag:s0] =	ssyncadd.tile.s32 @!p0 $0x1;
	_ =	shalt  }
.Lfunc_end2:
_tile_overlayer_lowered:
.L_overlay_start_2:
0x9f: {  	(tag) =	ssettag $0x2  }
0xa0: {  	s0 =	rddreg [dreg:$0x0];
	s2 =	stileid.u32  }
0xa1: {  	s1 =	rddreg [dreg:$0x1];
	p0 =	sne.s32 s2, $0x0  }
0xa2: {  	s3 =	rddreg [dreg:$0x2];
	[bflag:$0x3] =	sbarrier.arrive $0xFFFF;
	s2 =	simm.s32 @!p0 $0x1C09  }
0xa3: {  	[timem:s3], [sflag:s2] =	dma.local @!p0 [hbm:s0], s1  }
0xa4: {  	s0 =	simm.s32 @!p0 $0x9  }
0xa5: {  	_ =	swait.ge @!p0 [sflag:s0], s1  }
0xa6: {  	s1 =	ssub.s32 @!p0 $0x0, s1;
	[sflag:s0] =	ssyncset.done @!p0 $0x0  }
0xa7: {  	[sflag:s0] =	ssyncadd.s32 @!p0 s1  }
0xa8: {  	[bflag:$0x3] =	sbarrier.arrive $0xFFFF  }
0xa9: {  	_ =	shalt  }

// kernel: kernel.15.cloned.1.call-start
scs
__scs_entry_jumppad:
0x0: {  	(pc) =	sbr.rel $0x88, $3  }
0x1: {  	(tag) =	ssettag $0x0;
	lr =	simm.s32 $0x1  }
0x2: {  	[smem:$0x3F96] =	sst lr;
	_ =	strace $0xD0000000  }
0x3: {  	_ = 	snop  }
0x4: {  	_ = 	snop  }
0x5: {  	_ = 	snop  }
0x6: {  	_ = 	snop  }
0x7: {  	_ = 	snop  }
__scs_overlays_trampoline_lowered:
0x8: {  	[smem:$0x3FA5] =	sst s0  }
0x9: {  	[smem:$0x3FA6] =	sst s1  }
0xa: {  	[smem:$0x3FA7] =	sst s2  }
0xb: {  	[smem:$0x3FA8] =	sst s3  }
0xc: {  	[smem:$0x3FA9] =	sst s4  }
0xd: {  	[smem:$0x3FAA] =	sst s5  }
0xe: {  	[smem:$0x3FAB] =	sst s6  }
0xf: {  	[smem:$0x3FAC] =	sst s7  }
0x10: {  	[smem:$0x3FAD] =	sst s8  }
0x11: {  	[smem:$0x3FAE] =	sst s9;
	s0 =	simm.s32 @!p0 $0x0  }
0x12: {  	s1 =	sld [smem:$0x3F94];
	s0 =	simm.s32 @p0 $0x1  }
0x13: {  	[smem:$0x3FAF] =	sst s0;
	s0 =	simm.s32 @!p1 $0x0  }
0x14: {  	s2 =	sld [smem:$0x3F93];
	s0 =	simm.s32 @p1 $0x1  }
0x15: {  	[smem:$0x3FB0] =	sst s0;
	s0 =	simm.s32 @!p2 $0x0  }
0x16: {  	s3 =	sld [smem:$0x3FDB];
	s0 =	simm.s32 @p2 $0x1  }
0x17: {  	s4 =	simm.s32 $0x1BF5;
	[smem:$0x3FB2] =	sst s0  }
0x18: {  	s0 =	sld [smem:$0x3F95];
	_ =	swait.ge [sflag:s4], $0x0  }
0x19: {  	s7 =	sld [smem:$0x3F96]  }
0x1a: {  	s8 =	sadd.s32 $0xFFFFE003, lr  }
0x1b: {  	s9 =	sadd.s32 $0xFFFFFEF7, lr;
	s5 =	simm.s32 $0xFFFFFFFF;
	p2 =	slt.u32 s8, $0xFFFFF086  }
0x1c: {  	p1 =	slt.u32 s9, $0xF7A;
	s5 =	simm.s32 @!p2 $0x0  }
0x1d: {  	s5 =	simm.s32 @p1 $0x1;
	p0 =	seq.s32 s7, s2  }
0x1e: {  	s7 =	smul.u32 @!p0 $0xF7A, s2;
	p2 =	seq.s32 @!p0 s5, $0x0  }
0x1f: {  	s9 =	smul.u32 $0xF7A, s1;
	s8 =	simm.s32 @!p0 $0x1BF5;
	p2 =	por !p2, p0  }
0x20: {  	[sflag:s8] =	ssyncset.s32 @!p0 $0xFFFFF086;
	s6 =	sadd.s32 @!p0 s3, s7;
	s7 =	simm.s32 @!p0 $0x108  }
0x21: {  	s3 =	sadd.s32 s3, s9;
	s6 =	sadd.s32 @!p0 $0x88, s6;
	s7 =	simm.s32 @p2 $0x1082  }
0x22: {  	[simem:s7], [sflag:s8] =	dma.local @!p0 [hbm:s6], $0xF7A  }
0x23: {  	s9 =	sor.u32 $0xD0000000, s2;
	s6 =	simm.s32 $0x108;
	_ =	swait.ge @!p0 [sflag:s8], $0x0  }
0x24: {  	s3 =	sadd.s32 $0x88, s3;
	s6 =	simm.s32 @!p1 $0x1082;
	[sflag:s4] =	ssyncset.s32 $0xFFFFF086  }
0x25: {  	[simem:s6], [sflag:s4] =	dma.local [hbm:s3], $0xF7A  }
0x26: {  	[smem:$0x3F96] =	sst s1;
	(tag) =	ssettag s2;
	_ =	strace s9  }
0x27: {  	s1 =	sld [smem:$0x3FA6]  }
0x28: {  	s2 =	sld [smem:$0x3FA7]  }
0x29: {  	s4 =	sld [smem:$0x3FA9]  }
0x2a: {  	p0 =	seq.s32 s5, $0x0;
	s5 =	sld [smem:$0x3FAA]  }
0x2b: {  	s6 =	sld [smem:$0x3FAB]  }
0x2c: {  	s7 =	sld [smem:$0x3FAC]  }
0x2d: {  	s3 =	simm.s32 $0x108;
	s8 =	sld [smem:$0x3FAD]  }
0x2e: {  	s3 =	simm.s32 @!p0 $0x1082;
	s9 =	sld [smem:$0x3FAE]  }
0x2f: {  	lr =	sadd.s32 s0, s3;
	s0 =	sld [smem:$0x3FA5]  }
0x30: {  	s3 =	sld [smem:$0x3FA8]  }
0x31: {  	[smem:$0x3FB1] =	sst s10  }
0x32: {  	s10 =	sld [smem:$0x3FAF];
	_ =	sdelay $0x3  }
0x33: {  	p0 =	seq.s32 s10, $0x1;
	s10 =	sld [smem:$0x3FB1];
	_ =	sdelay $0x3  }
0x34: {  	[smem:$0x3FB1] =	sst s10  }
0x35: {  	s10 =	sld [smem:$0x3FB0];
	_ =	sdelay $0x3  }
0x36: {  	p1 =	seq.s32 s10, $0x1;
	s10 =	sld [smem:$0x3FB1];
	_ =	sdelay $0x3  }
0x37: {  	[smem:$0x3FB1] =	sst s10  }
0x38: {  	s10 =	sld [smem:$0x3FB2]  }
0x39: {  	_ = 	snop;
	(pc) =	sbr.ind lr, $3  }
0x3a: {  	_ = 	snop  }
0x3b: {  	_ = 	snop  }
0x3c: {  	p2 =	seq.s32 s10, $0x1;
	s10 =	sld [smem:$0x3FB1]  }
0x3d: {  	_ =	shalt  }
0x3e: {  	_ =	shalt  }
0x3f: {  	_ =	shalt  }
0x40: {  	_ =	shalt  }
0x41: {  	_ =	shalt  }
0x42: {  	_ =	shalt  }
0x43: {  	_ =	shalt  }
0x44: {  	_ =	shalt  }
0x45: {  	_ =	shalt  }
0x46: {  	_ =	shalt  }
0x47: {  	_ =	shalt  }
0x48: {  	_ =	shalt  }
0x49: {  	_ =	shalt  }
0x4a: {  	_ =	shalt  }
0x4b: {  	_ =	shalt  }
0x4c: {  	_ =	shalt  }
0x4d: {  	_ =	shalt  }
0x4e: {  	_ =	shalt  }
0x4f: {  	_ =	shalt  }
0x50: {  	_ =	shalt  }
0x51: {  	_ =	shalt  }
0x52: {  	_ =	shalt  }
0x53: {  	_ =	shalt  }
0x54: {  	_ =	shalt  }
0x55: {  	_ =	shalt  }
0x56: {  	_ =	shalt  }
0x57: {  	_ =	shalt  }
0x58: {  	_ =	shalt  }
0x59: {  	_ =	shalt  }
0x5a: {  	_ =	shalt  }
0x5b: {  	_ =	shalt  }
0x5c: {  	_ =	shalt  }
0x5d: {  	_ =	shalt  }
0x5e: {  	_ =	shalt  }
0x5f: {  	_ =	shalt  }
0x60: {  	_ =	shalt  }
0x61: {  	_ =	shalt  }
0x62: {  	_ =	shalt  }
0x63: {  	_ =	shalt  }
0x64: {  	_ =	shalt  }
0x65: {  	_ =	shalt  }
0x66: {  	_ =	shalt  }
0x67: {  	_ =	shalt  }
0x68: {  	_ =	shalt  }
0x69: {  	_ =	shalt  }
0x6a: {  	_ =	shalt  }
0x6b: {  	_ =	shalt  }
0x6c: {  	_ =	shalt  }
0x6d: {  	_ =	shalt  }
0x6e: {  	_ =	shalt  }
0x6f: {  	_ =	shalt  }
0x70: {  	_ =	shalt  }
0x71: {  	_ =	shalt  }
0x72: {  	_ =	shalt  }
0x73: {  	_ =	shalt  }
0x74: {  	_ =	shalt  }
0x75: {  	_ =	shalt  }
0x76: {  	_ =	shalt  }
0x77: {  	_ =	shalt  }
0x78: {  	_ =	shalt  }
0x79: {  	_ =	shalt  }
0x7a: {  	_ =	shalt  }
0x7b: {  	_ =	shalt  }
0x7c: {  	_ =	shalt  }
0x7d: {  	_ =	shalt  }
0x7e: {  	_ =	shalt  }
0x7f: {  	_ =	shalt  }
0x80: {  	_ =	shalt  }
0x81: {  	_ =	shalt  }
0x82: {  	_ =	shalt  }
0x83: {  	_ =	shalt  }
0x84: {  	_ =	shalt  }
0x85: {  	_ =	shalt  }
0x86: {  	_ =	shalt  }
0x87: {  	_ =	shalt  }
.Lfunc_end0:
.L_simem_size_0:
called_computation.2_lowered:
.L_overlay_start_0:
0x88: {  	s2 =	sld [smem:$0x3FD9]  }
0x89: {  	s3 =	sld [smem:$0x3FFE];
	_ =	sdelay $0x1  }
0x8a: {  	s1 =	srdreg.scid  }
0x8b: {  	s0 =	sand.u32 $0x1, s1  }
0x8c: {  	s16 =	sshll.u32 s0, $0xA;
	s2 =	sadd.s32 s3, s2  }
0x8d: {  	s2 =	sadd.s32 s2, s16  }
0x8e: {  	[smem:$0x3FBD] =	sst s2  }
0x8f: {  	_ = 	snop  }
0x90: {  	(tm) =	ssettm $0x1  }
0x91: {  	s17 =	sld [smem:$0x3FFB];
	_ =	sdelay $0x3  }
0x92: {  	_ =	strace s17  }
0x93: {  	s2 =	sld [smem:$0x3FFC];
	_ =	sdelay $0x3  }
0x94: {  	_ =	strace s2  }
0x95: {  	s2 =	sld [smem:$0x3FFD];
	_ =	sdelay $0x3  }
0x96: {  	_ =	strace s2  }
0x97: {  	_ =	strace $0x8FFFFFFF  }
0x98: {  	s18 =	sld [smem:$0x3FDB];
	_ =	sdelay $0x1  }
0x99: {  	s19 =	simm.s32 $_scs_section_size  }
0x9a: {  	s4 =	simm.s32 $_size__tile_overlayer_lowered;
	s5 =	simm.s32 $_tile_overlayer_lowered  }
0x9b: {  	s22 =	simm.s32 $0x1BFF;
	s21 =	sshll.u32 s5, $0x1;
	s2 =	sadd.s32 s19, s18  }
0x9c: {  	s6 =	simm.s32 $0x0;
	s20 =	sshll.u32 s4, $0x1;
	s4 =	sadd.s32 s21, s2  }
0x9d: {  	[timem:s6], [sflag:s22] =	dma.local [hbm:s4], s20  }
0x9e: {  	_ =	swait.ge [sflag:s22], s20  }
0x9f: {  	s3 =	ssub.s32 $0x0, s20;
	[sflag:s22] =	ssyncset.done $0x0  }
0xa0: {  	[sflag:s22] =	ssyncadd.s32 s3;
	_ =	sdelay $0x1  }
0xa1: {  	s23 =	simm.s32 $0x1B8B  }
0xa2: {  	_ =	swait.ge [sflag:s23], $0x1  }
0xa3: {  	[sflag:s23] =	ssyncset.done $0x0  }
0xa4: {  	s25 =	simm.s32 $0x1B8E;
	s24 =	sld [smem:$0x3FFE];
	[sflag:s23] =	ssyncadd.s32 $0xFFFFFFFF  }
0xa5: {  	s26 =	simm.s32 $execute0_lowered;
	[smem:$0x3FD2] =	sst s25  }
0xa6: {  	s4 =	sshll.u32 s26, $0x1;
	_ =	strace $0x8000004C;
	[dreg:$0x1] =	wrdreg $0xFFFFFFFF  }
0xa7: {  	s28 =	simm.s32 $_size_execute0_lowered;
	s2 =	sadd.s32 s2, s4;
	[dreg:$0x0] =	wrdreg $0x0  }
0xa8: {  	s4 =	sshll.u32 s28, $0x1;
	[dreg:$0x2] =	wrdreg s2  }
0xa9: {  	[dreg:$0x3] =	wrdreg s4  }
0xaa: {  	[dreg:$0x4] =	wrdreg $0xC0  }
0xab: {  	_ =	task [dreg:s6], $0x5FFFF  }
0xac: {  	[dreg:$0x1] =	wrdreg $0xFFFFFFFF  }
0xad: {  	[dreg:$0x0] =	wrdreg $0x60  }
0xae: {  	[dreg:$0x2] =	wrdreg s24  }
0xaf: {  	[dreg:$0x3] =	wrdreg $0xF0000  }
0xb0: {  	[dreg:$0x4] =	wrdreg $0x9  }
0xb1: {  	_ =	task.clear_ibuf [dreg:s6], $0x5FFFF;
	_ =	strace $0x9000004C  }
0xb2: {  	s29 =	simm.s32 $0x9;
	_ =	strace $0x8000004E  }
0xb3: {  	_ =	swait.ge [sflag:s29], $0x1  }
0xb4: {  	[sflag:s29] =	ssyncadd.s32 $0xFFFFFFFF  }
0xb5: {  	_ =	strace $0x9000004E  }
0xb6: {  	_ =	sfence  }
0xb7: {  	s30 =	sld [smem:$0x0];
	_ =	sdelay $0x2  }
0xb8: {  	s31 =	sshll.u32 s1, $0xD;
	s1 =	sshrl.u32 s1, $0x2  }
0xb9: {  	s3 =	sand.u32 $0x4000, s31;
	s1 =	sadd.s32 s1, s30  }
0xba: {  	s0 =	sor.u32 s3, s0;
	s1 =	sshll.u32 s1, $0x11  }
0xbb: {  	s0 =	sor.u32 s1, s0  }
0xbc: {  	s0 =	sadd.s32 $0x8F2B, s0  }
0xbd: {  	[sflag:s0] =	ssyncadd.remote.s32 $0x1  }
0xbe: {  	_ =	sfence.sel $0xFFFF  }
0xbf: {  	[dreg:$0x0] =	wrdreg $0xFFFFFFFF;
	(pc) =	sbr.abs _section_cstart, $3  }
0xc0: {  	[dreg:$0x1] =	wrdreg $0xFFFFFFFF  }
0xc1: {  	_ =	task.clear_ibuf [dreg:s6], $0x2FFFF;
	_ =	strace $0x9FFFFFFF  }
0xc2: {  	(tm) =	ssettm $0x7FFFFFFF  }
0xc3: {  	_ =	shalt  }
tec
execute0_lowered:
.L_overlay_start_1:
0x0: {  	(tag) =	ssettag $0x1  }
0x1: {  	s0 =	srdreg.scid;
	s1 =	rddreg [dreg:$0x0]  }
0x2: {  	s7 =	stileid.u32;
	s2 =	rddreg [dreg:$0x1]  }
0x3: {  	s6 =	simm.s32 $0x0;
	s14 =	simm.s32 $0x9;
	s15 =	simm.s32 $0x5000  }
0x4: {  	s16 =	simm.s32 $0xE000;
	s17 =	simm.s32 $0x80;
	s18 =	simm.s32 $0xA000  }
0x5: {  	s19 =	simm.s32 $0xB000;
	s21 =	simm.s32 $0xC000;
	s4 =	smul.u32 $0x5000, s7  }
0x6: {  	s29 =	simm.s32 $0x5;
	s31 =	simm.s32 $0x3;
	s8 =	smul.u32 $0xA000, s7  }
0x7: {  	s30 =	simm.s32 $0x7;
	s0 =	sand.u32 $0x1, s0;
	s7 =	smul.u32 $0x14000, s7  }
0x8: {  	s20 =	simm.s32 $0x8;
	s28 =	simm.s32 $0x0;
	s3 =	smul.u32 $0x9C80, s0  }
0x9: {  	[smem:$0x7FF] =	sst s6;
	s5 =	smul.u32 $0xA0000, s0;
	s0 =	ssub.s32 $0x2, s0  }
0xa: {  	_ =	strace $0x8000004D;
	s4 =	sshrl.u32 s4, $0x3;
	s22 =	sshrl.u32 s0, $0x1  }
0xb: {  	s24 =	sshrl.u32 s7, $0x2;
	s25 =	sshrl.u32 s8, $0x1;
	s3 =	sadd.s32 s3, s1  }
0xc: {  	s5 =	sadd.s32 s8, s5;
	s9 =	sadd.s32 s4, s1;
	s0 =	ssub.s32 s0, s22  }
0xd: {  	s6 =	sadd.s32 s24, s2;
	s26 =	sadd.s32 s25, s2;
	s22 =	simm.s32 $0x1  }
0xe: {  	s24 =	simm.s32 $0xD000;
	s5 =	sshrl.u32 s5, $0x4;
	s4 =	sadd.s32 $0x2800, s9  }
0xf: {  	s23 =	sadd.s32 $0xC800, s9;
	s7 =	sadd.s32 $0x16800, s3;
	s0 =	smax.u32 s0, $0x1  }
.Ltmp0:
0x10: {  	s10 =	sadd.s32 $0x1000, s6;
	s11 =	sadd.s32 $0x2000, s6;
	(pc) =	sbr.rel .LBB2_1-.Ltmp0, $4  }
0x11: {  	s12 =	sadd.s32 $0x3000, s6;
	s13 =	sadd.s32 $0x4000, s6;
	[dreg:$0x3] =	wrdreg s4  }
0x12: {  	s25 =	sshrl.u32 s26, $0x3;
	s1 =	sadd.s32 s5, s1;
	[dreg:$0x4] =	wrdreg s23  }
0x13: {  	s26 =	simm.s32 $0x2;
	[dreg:$0x6] =	wrdreg s0;
	s1 =	sadd.s32 $0x2A200, s1  }
0x14: {  	v0 =	vimm.bf16 $0.0e+00;
	s0 =	simm.s32 $0x6;
	s23 =	simm.s32 $0x4;
	[dreg:$0x5] =	wrdreg s1  }
.LBB2_6:
0x15: {  	_ =	swait.ge [sflag:s20], $0x1000  }
0x16: {  	[sflag:s20] =	ssyncset.done $0x0  }
0x17: {  	s1 =	stileid.u32;
	[sflag:s20] =	ssyncadd.s32 $0xFFFFF000  }
0x18: {  	s1 =	sshll.u32 s1, $0x6;
	[bflag:$0x0] =	sbarrier.arrive $0xFFFF  }
0x19: {  	s1 =	sor.u32 $0x1C09, s1;
	s3 =	rddreg [dreg:$0x5]  }
0x1a: {  	[hbm:s3], [sflag:s1] =	dma.local [spmem:s25], $0xA00  }
0x1b: {  	_ =	swait.ge [sflag:s14], $0xA00  }
0x1c: {  	s28 =	sadd.s32 $0x1, s28;
	s9 =	rddreg [dreg:$0x6]  }
0x1d: {  	p0 =	sne.s32 s28, s9  }
.Ltmp1:
0x1e: {  	_ = 	snop;
	(pc) =	sbr.rel @!p0 .LBB2_7-.Ltmp1, $3  }
0x1f: {  	_ =	sdelay $0x1  }
0x20: {  	[sflag:s14] =	ssyncset.done $0x0  }
0x21: {  	[sflag:s14] =	ssyncadd.s32 $0xFFFFF600  }
.LBB2_1:
0x22: {  	s1 =	simm.s32 $0x0;
	s3 =	rddreg [dreg:$0x3]  }
0x23: {  	[tilespmem:s1], [sflag:$0x9] =	stream.linear.gather [hbm4b:s3+s1], $0x5000, $0x38;
	[tilespmem:$0x14000] =	vst v63  }
0x24: {  	_ =	swait.ge [sflag:s14], $0x5000  }
0x25: {  	[sflag:s14] =	ssyncset.done $0x0  }
0x26: {  	s9 =	rddreg [dreg:$0x4];
	[sflag:s14] =	ssyncadd.s32 $0xFFFFB000  }
0x27: {  	[tilespmem:s15], [sflag:$0x9] =	stream.linear.gather [hbm4b:s9+s1], $0x5000, $0x38;
	[tilespmem:$0x14000] =	vst v63  }
0x28: {  	_ =	swait.ge [sflag:s14], $0x5000  }
0x29: {  	[sflag:s14] =	ssyncset.done $0x0  }
0x2a: {  	s3 =	simm.s32 $0x0;
	s1 =	simm.s32 $0x80;
	[sflag:s14] =	ssyncadd.s32 $0xFFFFB000  }
.LBB2_2:
0x2b: {  	p0 =	sne.s32 s1, $0x3F80;
	[tilespmem:s3+$0xE000] =	vst v0;
	s4 =	smov.u32 s1;
	s1 =	sadd.s32 $0x80, s1  }
.Ltmp2:
0x2c: {  	[tilespmem:s3+$0xE010] =	vst v0;
	(pc) =	sbr.rel @p0 .LBB2_2-.Ltmp2, $2  }
0x2d: {  	_ =	sdelay $0x2  }
0x2e: {  	s3 =	sshra.s32 s4, $0x2  }
0x2f: {  	[tilespmem:s3+$0xE000] =	vst v0  }
0x30: {  	[tilespmem:s3+$0xE010] =	vst v0  }
0x31: {  	[spmem:s6] =	stream.linear.scatter [tilespmem:s16], [sflag:$0x9], $0x1000, $0x38;
	[tilespmem:$0x14000] =	vst v63  }
0x32: {  	_ =	swait.ge [sflag:s14], $0x1000  }
0x33: {  	[sflag:s14] =	ssyncset.done $0x0  }
0x34: {  	[sflag:s14] =	ssyncadd.s32 $0xFFFFF000  }
0x35: {  	[spmem:s10] =	stream.linear.scatter [tilespmem:s16], [sflag:$0x9], $0x1000, $0x38;
	[tilespmem:$0x14000] =	vst v63  }
0x36: {  	_ =	swait.ge [sflag:s14], $0x1000  }
0x37: {  	[sflag:s14] =	ssyncset.done $0x0  }
0x38: {  	[sflag:s14] =	ssyncadd.s32 $0xFFFFF000  }
0x39: {  	[spmem:s11] =	stream.linear.scatter [tilespmem:s16], [sflag:$0x9], $0x1000, $0x38;
	[tilespmem:$0x14000] =	vst v63  }
0x3a: {  	_ =	swait.ge [sflag:s14], $0x1000  }
0x3b: {  	[sflag:s14] =	ssyncset.done $0x0  }
0x3c: {  	[sflag:s14] =	ssyncadd.s32 $0xFFFFF000  }
0x3d: {  	[spmem:s12] =	stream.linear.scatter [tilespmem:s16], [sflag:$0x9], $0x1000, $0x38;
	[tilespmem:$0x14000] =	vst v63  }
0x3e: {  	_ =	swait.ge [sflag:s14], $0x1000  }
0x3f: {  	[sflag:s14] =	ssyncset.done $0x0  }
0x40: {  	[sflag:s14] =	ssyncadd.s32 $0xFFFFF000  }
0x41: {  	[spmem:s13] =	stream.linear.scatter [tilespmem:s16], [sflag:$0x9], $0x1000, $0x38;
	[tilespmem:$0x14000] =	vst v63  }
0x42: {  	_ =	swait.ge [sflag:s14], $0x1000  }
0x43: {  	[sflag:s14] =	ssyncset.done $0x0  }
0x44: {  	[sflag:s14] =	ssyncadd.s32 $0xFFFFF000  }
0x45: {  	s1 =	simm.s32 $0x0;
	[bflag:$0x0] =	sbarrier.arrive $0xFFFF  }
0x46: {  	[tilespmem:s18], [sflag:$0x1] =	stream.indirect.gather [hbm4b:s7+s17], $0x20, s1, s17, $0xb8;
	[tilespmem:$0x14000] =	vst v63  }
0x47: {  	_ = 	snop  }
0x48: {  	[tilespmem:s19], [sflag:$0x2] =	stream.indirect.gather [hbm4b:s7+s17], $0x20, s17, s17, $0xb8;
	[tilespmem:$0x14000] =	vst v63  }
0x49: {  	s4 =	simm.s32 $0x100  }
0x4a: {  	[tilespmem:s21], [sflag:$0x3] =	stream.indirect.gather [hbm4b:s7+s17], $0x20, s4, s17, $0xb8;
	[tilespmem:$0x14000] =	vst v63  }
0x4b: {  	_ =	swait.ge [sflag:s22], $0x1000  }
0x4c: {  	[sflag:s22] =	ssyncset.done $0x0  }
0x4d: {  	[sflag:s22] =	ssyncadd.s32 $0xFFFFF000  }
0x4e: {  	[spmem:s2] =	stream.indirect.scatter.add.bf16 [tilespmem:s18], [sflag:$0x5], $0x20, s15, s17, $0xb8;
	[tilespmem:$0x14000] =	vst v63  }
0x4f: {  	s5 =	simm.s32 $0x180  }
0x50: {  	[tilespmem:s24], [sflag:$0x4] =	stream.indirect.gather [hbm4b:s7+s17], $0x20, s5, s17, $0xb8;
	[tilespmem:$0x14000] =	vst v63  }
0x51: {  	_ =	swait.ge [sflag:s26], $0x1000  }
0x52: {  	[sflag:s26] =	ssyncset.done $0x0  }
0x53: {  	s8 =	simm.s32 $0x5080;
	[sflag:s26] =	ssyncadd.s32 $0xFFFFF000  }
0x54: {  	[spmem:s2] =	stream.indirect.scatter.add.bf16 [tilespmem:s19], [sflag:$0x6], $0x20, s8, s17, $0xb8;
	[tilespmem:$0x14000] =	vst v63  }
0x55: {  	_ =	swait.ge [sflag:s29], $0x1000  }
0x56: {  	[sflag:s29] =	ssyncset.done $0x0  }
0x57: {  	s9 =	simm.s32 $0x200;
	[sflag:s29] =	ssyncadd.s32 $0xFFFFF000  }
0x58: {  	[tilespmem:s18], [sflag:$0x1] =	stream.indirect.gather [hbm4b:s7+s17], $0x20, s9, s17, $0xb8;
	[tilespmem:$0x14000] =	vst v63  }
0x59: {  	_ =	swait.ge [sflag:s31], $0x1000  }
0x5a: {  	[sflag:s31] =	ssyncset.done $0x0  }
0x5b: {  	s4 =	simm.s32 $0x5100;
	[sflag:s31] =	ssyncadd.s32 $0xFFFFF000  }
0x5c: {  	[spmem:s2] =	stream.indirect.scatter.add.bf16 [tilespmem:s21], [sflag:$0x7], $0x20, s4, s17, $0xb8;
	[tilespmem:$0x14000] =	vst v63  }
0x5d: {  	_ =	swait.ge [sflag:s0], $0x1000  }
0x5e: {  	[sflag:s0] =	ssyncset.done $0x0  }
0x5f: {  	s5 =	simm.s32 $0x280;
	[sflag:s0] =	ssyncadd.s32 $0xFFFFF000  }
0x60: {  	[tilespmem:s19], [sflag:$0x2] =	stream.indirect.gather [hbm4b:s7+s17], $0x20, s5, s17, $0xb8;
	[tilespmem:$0x14000] =	vst v63  }
0x61: {  	_ =	swait.ge [sflag:s23], $0x1000  }
0x62: {  	[sflag:s23] =	ssyncset.done $0x0  }
0x63: {  	s8 =	simm.s32 $0x5180;
	[sflag:s23] =	ssyncadd.s32 $0xFFFFF000  }
0x64: {  	[spmem:s2] =	stream.indirect.scatter.add.bf16 [tilespmem:s24], [sflag:$0x8], $0x20, s8, s17, $0xb8;
	[tilespmem:$0x14000] =	vst v63  }
0x65: {  	_ =	swait.ge [sflag:s30], $0x1000  }
0x66: {  	[sflag:s30] =	ssyncset.done $0x0  }
0x67: {  	s9 =	simm.s32 $0x300;
	[sflag:s30] =	ssyncadd.s32 $0xFFFFF000  }
0x68: {  	[tilespmem:s21], [sflag:$0x3] =	stream.indirect.gather [hbm4b:s7+s17], $0x20, s9, s17, $0xb8;
	[tilespmem:$0x14000] =	vst v63  }
.LBB2_4:
0x69: {  	_ =	swait.ge [sflag:s22], $0x1000  }
0x6a: {  	s3 =	sshra.s32 s1, $0x2;
	[sflag:s22] =	ssyncset.done $0x0  }
0x6b: {  	s4 =	sadd.s32 $0x5200, s3;
	[sflag:s22] =	ssyncadd.s32 $0xFFFFF000  }
0x6c: {  	[spmem:s2] =	stream.indirect.scatter.add.bf16 [tilespmem:s18], [sflag:$0x5], $0x20, s4, s17, $0xb8;
	[tilespmem:$0x14000] =	vst v63  }
0x6d: {  	_ =	swait.ge [sflag:s20], $0x1000  }
0x6e: {  	[sflag:s20] =	ssyncset.done $0x0  }
0x6f: {  	s5 =	sadd.s32 $0x380, s3;
	[sflag:s20] =	ssyncadd.s32 $0xFFFFF000  }
0x70: {  	[tilespmem:s24], [sflag:$0x4] =	stream.indirect.gather [hbm4b:s7+s17], $0x20, s5, s17, $0xb8;
	[tilespmem:$0x14000] =	vst v63  }
0x71: {  	_ =	swait.ge [sflag:s26], $0x1000  }
0x72: {  	[sflag:s26] =	ssyncset.done $0x0  }
0x73: {  	s8 =	sadd.s32 $0x5280, s3;
	[sflag:s26] =	ssyncadd.s32 $0xFFFFF000  }
0x74: {  	[spmem:s2] =	stream.indirect.scatter.add.bf16 [tilespmem:s19], [sflag:$0x6], $0x20, s8, s17, $0xb8;
	[tilespmem:$0x14000] =	vst v63  }
0x75: {  	_ =	swait.ge [sflag:s29], $0x1000  }
0x76: {  	p0 =	seq.s32 s1, $0x13000;
	[sflag:s29] =	ssyncset.done $0x0  }
0x77: {  	s4 =	simm.s32 @p0 $0x3;
	[sflag:s29] =	ssyncadd.s32 $0xFFFFF000  }
0x78: {  	_ =	swait.ge @p0 [sflag:s4], $0x1000  }
0x79: {  	[sflag:s4] =	ssyncset.done @p0 $0x0  }
0x7a: {  	[sflag:s4] =	ssyncadd.s32 @p0 $0xFFFFF000;
	s4 =	sshra.s32 @p0 s1, $0x2  }
0x7b: {  	s5 =	simm.s32 @p0 $0x80;
	s8 =	simm.s32 @p0 $0xC000;
	s4 =	sadd.s32 @p0 $0x5300, s4  }
0x7c: {  	[spmem:s2] =	stream.indirect.scatter.add.bf16 @p0 [tilespmem:s8], [sflag:$0x7], $0x20, s4, s5, $0xb8;
	[tilespmem:$0x14000] =	vst v63  }
0x7d: {  	s4 =	simm.s32 @p0 $0x6  }
0x7e: {  	_ =	swait.ge @p0 [sflag:s4], $0x1000  }
0x7f: {  	[sflag:s4] =	ssyncset.done @p0 $0x0  }
0x80: {  	[sflag:s4] =	ssyncadd.s32 @p0 $0xFFFFF000;
	s4 =	sshra.s32 @!p0 s1, $0x2  }
0x81: {  	s9 =	simm.s32 @!p0 $0xA000;
	s8 =	simm.s32 @!p0 $0x80;
	s5 =	sadd.s32 @!p0 $0x400, s4  }
0x82: {  	[tilespmem:s9], [sflag:$0x1] =	stream.indirect.gather @!p0 [hbm4b:s7+s8], $0x20, s5, s8, $0xb8;
	[tilespmem:$0x14000] =	vst v63  }
0x83: {  	s5 =	simm.s32 @!p0 $0x3  }
0x84: {  	_ =	swait.ge @!p0 [sflag:s5], $0x1000  }
0x85: {  	[sflag:s5] =	ssyncset.done @!p0 $0x0  }
0x86: {  	s9 =	simm.s32 @!p0 $0xC000;
	[sflag:s5] =	ssyncadd.s32 @!p0 $0xFFFFF000;
	s5 =	sadd.s32 @!p0 $0x5300, s4  }
0x87: {  	[spmem:s2] =	stream.indirect.scatter.add.bf16 @!p0 [tilespmem:s9], [sflag:$0x7], $0x20, s5, s8, $0xb8;
	[tilespmem:$0x14000] =	vst v63  }
0x88: {  	s5 =	simm.s32 @!p0 $0x6  }
0x89: {  	_ =	swait.ge @!p0 [sflag:s5], $0x1000  }
0x8a: {  	[sflag:s5] =	ssyncset.done @!p0 $0x0  }
0x8b: {  	s4 =	sadd.s32 @!p0 $0x480, s4;
	[sflag:s5] =	ssyncadd.s32 @!p0 $0xFFFFF000;
	s5 =	simm.s32 @!p0 $0xB000  }
0x8c: {  	[tilespmem:s5], [sflag:$0x2] =	stream.indirect.gather @!p0 [hbm4b:s7+s8], $0x20, s4, s8, $0xb8;
	[tilespmem:$0x14000] =	vst v63  }
0x8d: {  	_ =	swait.ge [sflag:s23], $0x1000  }
0x8e: {  	[sflag:s23] =	ssyncset.done $0x0  }
.Ltmp3:
0x8f: {  	s9 =	sadd.s32 $0x5380, s3;
	[sflag:s23] =	ssyncadd.s32 $0xFFFFF000;
	(pc) =	sbr.rel @p0 .LBB2_6-.Ltmp3, $4  }
0x90: {  	[spmem:s2] =	stream.indirect.scatter.add.bf16 [tilespmem:s24], [sflag:$0x8], $0x20, s9, s17, $0xb8;
	[tilespmem:$0x14000] =	vst v63  }
0x91: {  	_ =	swait.ge [sflag:s30], $0x1000  }
0x92: {  	[sflag:s30] =	ssyncset.done $0x0  }
0x93: {  	[sflag:s30] =	ssyncadd.s32 $0xFFFFF000  }
.Ltmp4:
0x94: {  	(pc) =	sbr.rel .LBB2_4-.Ltmp4, $3  }
0x95: {  	_ =	sdelay $0x1  }
0x96: {  	s3 =	sadd.s32 $0x500, s3;
	s1 =	sadd.s32 $0x800, s1  }
0x97: {  	[tilespmem:s21], [sflag:$0x3] =	stream.indirect.gather [hbm4b:s7+s17], $0x20, s3, s17, $0xb8;
	[tilespmem:$0x14000] =	vst v63  }
.LBB2_7:
0x98: {  	_ =	sfence.sel $0x180000  }
0x99: {  	[bflag:$0x0] =	sbarrier.arrive $0xFFFF  }
0x9a: {  	_ =	strace $0x9000004D  }
0x9b: {  	s0 =	stileid.u32;
	[bflag:$0x2] =	sbarrier.arrive $0xFFFF  }
0x9c: {  	p0 =	sne.s32 s0, $0x0;
	s0 =	rddreg [dreg:$0x2]  }
0x9d: {  	s0 =	sadd.s32 @!p0 $0x100000, s0  }
0x9e: {  	[sflag:s0] =	ssyncadd.tile.s32 @!p0 $0x1;
	_ =	shalt  }
.Lfunc_end2:
_tile_overlayer_lowered:
.L_overlay_start_2:
0x9f: {  	(tag) =	ssettag $0x2  }
0xa0: {  	s0 =	rddreg [dreg:$0x0];
	s2 =	stileid.u32  }
0xa1: {  	s1 =	rddreg [dreg:$0x1];
	p0 =	sne.s32 s2, $0x0  }
0xa2: {  	s3 =	rddreg [dreg:$0x2];
	[bflag:$0x3] =	sbarrier.arrive $0xFFFF;
	s2 =	simm.s32 @!p0 $0x1C09  }
0xa3: {  	[timem:s3], [sflag:s2] =	dma.local @!p0 [hbm:s0], s1  }
0xa4: {  	s0 =	simm.s32 @!p0 $0x9  }
0xa5: {  	_ =	swait.ge @!p0 [sflag:s0], s1  }
0xa6: {  	s1 =	ssub.s32 @!p0 $0x0, s1;
	[sflag:s0] =	ssyncset.done @!p0 $0x0  }
0xa7: {  	[sflag:s0] =	ssyncadd.s32 @!p0 s1  }
0xa8: {  	[bflag:$0x3] =	sbarrier.arrive $0xFFFF  }
0xa9: {  	_ =	shalt  }

// kernel: kernel.9.cloned.1.call-start
scs
__scs_entry_jumppad:
0x0: {  	(pc) =	sbr.rel $0x88, $3  }
0x1: {  	(tag) =	ssettag $0x0;
	lr =	simm.s32 $0x1  }
0x2: {  	[smem:$0x3F96] =	sst lr;
	_ =	strace $0xD0000000  }
0x3: {  	_ = 	snop  }
0x4: {  	_ = 	snop  }
0x5: {  	_ = 	snop  }
0x6: {  	_ = 	snop  }
0x7: {  	_ = 	snop  }
__scs_overlays_trampoline_lowered:
0x8: {  	[smem:$0x3FA5] =	sst s0  }
0x9: {  	[smem:$0x3FA6] =	sst s1  }
0xa: {  	[smem:$0x3FA7] =	sst s2  }
0xb: {  	[smem:$0x3FA8] =	sst s3  }
0xc: {  	[smem:$0x3FA9] =	sst s4  }
0xd: {  	[smem:$0x3FAA] =	sst s5  }
0xe: {  	[smem:$0x3FAB] =	sst s6  }
0xf: {  	[smem:$0x3FAC] =	sst s7  }
0x10: {  	[smem:$0x3FAD] =	sst s8  }
0x11: {  	[smem:$0x3FAE] =	sst s9;
	s0 =	simm.s32 @!p0 $0x0  }
0x12: {  	s1 =	sld [smem:$0x3F94];
	s0 =	simm.s32 @p0 $0x1  }
0x13: {  	[smem:$0x3FAF] =	sst s0;
	s0 =	simm.s32 @!p1 $0x0  }
0x14: {  	s2 =	sld [smem:$0x3F93];
	s0 =	simm.s32 @p1 $0x1  }
0x15: {  	[smem:$0x3FB0] =	sst s0;
	s0 =	simm.s32 @!p2 $0x0  }
0x16: {  	s3 =	sld [smem:$0x3FDB];
	s0 =	simm.s32 @p2 $0x1  }
0x17: {  	s4 =	simm.s32 $0x1BF5;
	[smem:$0x3FB2] =	sst s0  }
0x18: {  	s0 =	sld [smem:$0x3F95];
	_ =	swait.ge [sflag:s4], $0x0  }
0x19: {  	s7 =	sld [smem:$0x3F96]  }
0x1a: {  	s8 =	sadd.s32 $0xFFFFE003, lr  }
0x1b: {  	s9 =	sadd.s32 $0xFFFFFEF7, lr;
	s5 =	simm.s32 $0xFFFFFFFF;
	p2 =	slt.u32 s8, $0xFFFFF086  }
0x1c: {  	p1 =	slt.u32 s9, $0xF7A;
	s5 =	simm.s32 @!p2 $0x0  }
0x1d: {  	s5 =	simm.s32 @p1 $0x1;
	p0 =	seq.s32 s7, s2  }
0x1e: {  	s7 =	smul.u32 @!p0 $0xF7A, s2;
	p2 =	seq.s32 @!p0 s5, $0x0  }
0x1f: {  	s9 =	smul.u32 $0xF7A, s1;
	s8 =	simm.s32 @!p0 $0x1BF5;
	p2 =	por !p2, p0  }
0x20: {  	[sflag:s8] =	ssyncset.s32 @!p0 $0xFFFFF086;
	s6 =	sadd.s32 @!p0 s3, s7;
	s7 =	simm.s32 @!p0 $0x108  }
0x21: {  	s3 =	sadd.s32 s3, s9;
	s6 =	sadd.s32 @!p0 $0x88, s6;
	s7 =	simm.s32 @p2 $0x1082  }
0x22: {  	[simem:s7], [sflag:s8] =	dma.local @!p0 [hbm:s6], $0xF7A  }
0x23: {  	s9 =	sor.u32 $0xD0000000, s2;
	s6 =	simm.s32 $0x108;
	_ =	swait.ge @!p0 [sflag:s8], $0x0  }
0x24: {  	s3 =	sadd.s32 $0x88, s3;
	s6 =	simm.s32 @!p1 $0x1082;
	[sflag:s4] =	ssyncset.s32 $0xFFFFF086  }
0x25: {  	[simem:s6], [sflag:s4] =	dma.local [hbm:s3], $0xF7A  }
0x26: {  	[smem:$0x3F96] =	sst s1;
	(tag) =	ssettag s2;
	_ =	strace s9  }
0x27: {  	s1 =	sld [smem:$0x3FA6]  }
0x28: {  	s2 =	sld [smem:$0x3FA7]  }
0x29: {  	s4 =	sld [smem:$0x3FA9]  }
0x2a: {  	p0 =	seq.s32 s5, $0x0;
	s5 =	sld [smem:$0x3FAA]  }
0x2b: {  	s6 =	sld [smem:$0x3FAB]  }
0x2c: {  	s7 =	sld [smem:$0x3FAC]  }
0x2d: {  	s3 =	simm.s32 $0x108;
	s8 =	sld [smem:$0x3FAD]  }
0x2e: {  	s3 =	simm.s32 @!p0 $0x1082;
	s9 =	sld [smem:$0x3FAE]  }
0x2f: {  	lr =	sadd.s32 s0, s3;
	s0 =	sld [smem:$0x3FA5]  }
0x30: {  	s3 =	sld [smem:$0x3FA8]  }
0x31: {  	[smem:$0x3FB1] =	sst s10  }
0x32: {  	s10 =	sld [smem:$0x3FAF];
	_ =	sdelay $0x3  }
0x33: {  	p0 =	seq.s32 s10, $0x1;
	s10 =	sld [smem:$0x3FB1];
	_ =	sdelay $0x3  }
0x34: {  	[smem:$0x3FB1] =	sst s10  }
0x35: {  	s10 =	sld [smem:$0x3FB0];
	_ =	sdelay $0x3  }
0x36: {  	p1 =	seq.s32 s10, $0x1;
	s10 =	sld [smem:$0x3FB1];
	_ =	sdelay $0x3  }
0x37: {  	[smem:$0x3FB1] =	sst s10  }
0x38: {  	s10 =	sld [smem:$0x3FB2]  }
0x39: {  	_ = 	snop;
	(pc) =	sbr.ind lr, $3  }
0x3a: {  	_ = 	snop  }
0x3b: {  	_ = 	snop  }
0x3c: {  	p2 =	seq.s32 s10, $0x1;
	s10 =	sld [smem:$0x3FB1]  }
0x3d: {  	_ =	shalt  }
0x3e: {  	_ =	shalt  }
0x3f: {  	_ =	shalt  }
0x40: {  	_ =	shalt  }
0x41: {  	_ =	shalt  }
0x42: {  	_ =	shalt  }
0x43: {  	_ =	shalt  }
0x44: {  	_ =	shalt  }
0x45: {  	_ =	shalt  }
0x46: {  	_ =	shalt  }
0x47: {  	_ =	shalt  }
0x48: {  	_ =	shalt  }
0x49: {  	_ =	shalt  }
0x4a: {  	_ =	shalt  }
0x4b: {  	_ =	shalt  }
0x4c: {  	_ =	shalt  }
0x4d: {  	_ =	shalt  }
0x4e: {  	_ =	shalt  }
0x4f: {  	_ =	shalt  }
0x50: {  	_ =	shalt  }
0x51: {  	_ =	shalt  }
0x52: {  	_ =	shalt  }
0x53: {  	_ =	shalt  }
0x54: {  	_ =	shalt  }
0x55: {  	_ =	shalt  }
0x56: {  	_ =	shalt  }
0x57: {  	_ =	shalt  }
0x58: {  	_ =	shalt  }
0x59: {  	_ =	shalt  }
0x5a: {  	_ =	shalt  }
0x5b: {  	_ =	shalt  }
0x5c: {  	_ =	shalt  }
0x5d: {  	_ =	shalt  }
0x5e: {  	_ =	shalt  }
0x5f: {  	_ =	shalt  }
0x60: {  	_ =	shalt  }
0x61: {  	_ =	shalt  }
0x62: {  	_ =	shalt  }
0x63: {  	_ =	shalt  }
0x64: {  	_ =	shalt  }
0x65: {  	_ =	shalt  }
0x66: {  	_ =	shalt  }
0x67: {  	_ =	shalt  }
0x68: {  	_ =	shalt  }
0x69: {  	_ =	shalt  }
0x6a: {  	_ =	shalt  }
0x6b: {  	_ =	shalt  }
0x6c: {  	_ =	shalt  }
0x6d: {  	_ =	shalt  }
0x6e: {  	_ =	shalt  }
0x6f: {  	_ =	shalt  }
0x70: {  	_ =	shalt  }
0x71: {  	_ =	shalt  }
0x72: {  	_ =	shalt  }
0x73: {  	_ =	shalt  }
0x74: {  	_ =	shalt  }
0x75: {  	_ =	shalt  }
0x76: {  	_ =	shalt  }
0x77: {  	_ =	shalt  }
0x78: {  	_ =	shalt  }
0x79: {  	_ =	shalt  }
0x7a: {  	_ =	shalt  }
0x7b: {  	_ =	shalt  }
0x7c: {  	_ =	shalt  }
0x7d: {  	_ =	shalt  }
0x7e: {  	_ =	shalt  }
0x7f: {  	_ =	shalt  }
0x80: {  	_ =	shalt  }
0x81: {  	_ =	shalt  }
0x82: {  	_ =	shalt  }
0x83: {  	_ =	shalt  }
0x84: {  	_ =	shalt  }
0x85: {  	_ =	shalt  }
0x86: {  	_ =	shalt  }
0x87: {  	_ =	shalt  }
.Lfunc_end0:
.L_simem_size_0:
called_computation_lowered:
.L_overlay_start_0:
0x88: {  	s2 =	sld [smem:$0x3FD9]  }
0x89: {  	s3 =	sld [smem:$0x3FFE];
	_ =	sdelay $0x1  }
0x8a: {  	s1 =	srdreg.scid  }
0x8b: {  	s0 =	sand.u32 $0x1, s1  }
0x8c: {  	s16 =	sshll.u32 s0, $0xA;
	s2 =	sadd.s32 s3, s2  }
0x8d: {  	s2 =	sadd.s32 s2, s16  }
0x8e: {  	[smem:$0x3FBD] =	sst s2  }
0x8f: {  	_ = 	snop  }
0x90: {  	(tm) =	ssettm $0x1  }
0x91: {  	s17 =	sld [smem:$0x3FFB];
	_ =	sdelay $0x3  }
0x92: {  	_ =	strace s17  }
0x93: {  	s2 =	sld [smem:$0x3FFC];
	_ =	sdelay $0x3  }
0x94: {  	_ =	strace s2  }
0x95: {  	s2 =	sld [smem:$0x3FFD];
	_ =	sdelay $0x3  }
0x96: {  	_ =	strace s2  }
0x97: {  	_ =	strace $0x8FFFFFFF  }
0x98: {  	s18 =	sld [smem:$0x3FDB];
	_ =	sdelay $0x1  }
0x99: {  	s19 =	simm.s32 $_scs_section_size  }
0x9a: {  	s4 =	simm.s32 $_size__tile_overlayer_lowered;
	s5 =	simm.s32 $_tile_overlayer_lowered  }
0x9b: {  	s22 =	simm.s32 $0x1BFF;
	s21 =	sshll.u32 s5, $0x1;
	s2 =	sadd.s32 s19, s18  }
0x9c: {  	s6 =	simm.s32 $0x0;
	s20 =	sshll.u32 s4, $0x1;
	s4 =	sadd.s32 s21, s2  }
0x9d: {  	[timem:s6], [sflag:s22] =	dma.local [hbm:s4], s20  }
0x9e: {  	_ =	swait.ge [sflag:s22], s20  }
0x9f: {  	s3 =	ssub.s32 $0x0, s20;
	[sflag:s22] =	ssyncset.done $0x0  }
0xa0: {  	[sflag:s22] =	ssyncadd.s32 s3;
	_ =	sdelay $0x1  }
0xa1: {  	s23 =	simm.s32 $0x1B8B  }
0xa2: {  	_ =	swait.ge [sflag:s23], $0x1  }
0xa3: {  	[sflag:s23] =	ssyncset.done $0x0  }
0xa4: {  	s25 =	simm.s32 $0x1B8E;
	s24 =	sld [smem:$0x3FFE];
	[sflag:s23] =	ssyncadd.s32 $0xFFFFFFFF  }
0xa5: {  	s26 =	simm.s32 $execute0_lowered;
	[smem:$0x3FD2] =	sst s25  }
0xa6: {  	s4 =	sshll.u32 s26, $0x1;
	_ =	strace $0x80000046;
	[dreg:$0x1] =	wrdreg $0xFFFFFFFF  }
0xa7: {  	s28 =	simm.s32 $_size_execute0_lowered;
	s2 =	sadd.s32 s2, s4;
	[dreg:$0x0] =	wrdreg $0x0  }
0xa8: {  	s4 =	sshll.u32 s28, $0x1;
	[dreg:$0x2] =	wrdreg s2  }
0xa9: {  	[dreg:$0x3] =	wrdreg s4  }
0xaa: {  	[dreg:$0x4] =	wrdreg $0xC0  }
0xab: {  	_ =	task [dreg:s6], $0x5FFFF  }
0xac: {  	[dreg:$0x1] =	wrdreg $0xFFFFFFFF  }
0xad: {  	[dreg:$0x0] =	wrdreg $0x60  }
0xae: {  	[dreg:$0x2] =	wrdreg s24  }
0xaf: {  	[dreg:$0x3] =	wrdreg $0x38000  }
0xb0: {  	[dreg:$0x4] =	wrdreg $0x9  }
0xb1: {  	_ =	task.clear_ibuf [dreg:s6], $0x5FFFF;
	_ =	strace $0x90000046  }
0xb2: {  	s29 =	simm.s32 $0x9;
	_ =	strace $0x80000048  }
0xb3: {  	_ =	swait.ge [sflag:s29], $0x1  }
0xb4: {  	[sflag:s29] =	ssyncadd.s32 $0xFFFFFFFF  }
0xb5: {  	_ =	strace $0x90000048  }
0xb6: {  	_ =	sfence  }
0xb7: {  	s30 =	sld [smem:$0x0];
	_ =	sdelay $0x2  }
0xb8: {  	s31 =	sshll.u32 s1, $0xD;
	s1 =	sshrl.u32 s1, $0x2  }
0xb9: {  	s3 =	sand.u32 $0x4000, s31;
	s1 =	sadd.s32 s1, s30  }
0xba: {  	s0 =	sor.u32 s3, s0;
	s1 =	sshll.u32 s1, $0x11  }
0xbb: {  	s0 =	sor.u32 s1, s0  }
0xbc: {  	s0 =	sadd.s32 $0x8F2B, s0  }
0xbd: {  	[sflag:s0] =	ssyncadd.remote.s32 $0x1  }
0xbe: {  	_ =	sfence.sel $0xFFFF  }
0xbf: {  	[dreg:$0x0] =	wrdreg $0xFFFFFFFF;
	(pc) =	sbr.abs _section_cstart, $3  }
0xc0: {  	[dreg:$0x1] =	wrdreg $0xFFFFFFFF  }
0xc1: {  	_ =	task.clear_ibuf [dreg:s6], $0x2FFFF;
	_ =	strace $0x9FFFFFFF  }
0xc2: {  	(tm) =	ssettm $0x7FFFFFFF  }
0xc3: {  	_ =	shalt  }
tec
execute0_lowered:
.L_overlay_start_1:
0x0: {  	(tag) =	ssettag $0x1  }
0x1: {  	s4 =	rddreg [dreg:$0x0]  }
0x2: {  	s2 =	rddreg [dreg:$0x1]  }
0x3: {  	s0 =	srdreg.scid;
	s1 =	rddreg [dreg:$0x2];
	s3 =	simm.s32 $0x0  }
0x4: {  	s12 =	simm.s32 $0x1;
	s13 =	simm.s32 $0x3000;
	s14 =	simm.s32 $0x80  }
0x5: {  	s15 =	simm.s32 $0x2800;
	s5 =	sand.u32 $0x1, s0;
	s0 =	stileid.u32  }
0x6: {  	s18 =	simm.s32 $0x0;
	[smem:$0x7FF] =	sst s3;
	s6 =	smul.u32 $0x28000, s5  }
0x7: {  	s7 =	smul.u32 $0x2800, s0;
	s8 =	sshll.u32 s5, $0x4;
	_ =	strace $0x80000047  }
0x8: {  	s9 =	smul.u32 $0xA000, s0;
	s5 =	ssub.s32 $0x2, s5;
	s16 =	sshll.u32 s0, $0x6  }
0x9: {  	s8 =	sor.u32 s0, s8;
	s10 =	sshrl.u32 s5, $0x1;
	s16 =	sor.u32 $0x1C01, s16  }
0xa: {  	s6 =	sadd.s32 s7, s6;
	s8 =	smul.u32 $0x2800, s8;
	s30 =	sshrl.u32 s9, $0x2  }
0xb: {  	s31 =	ssub.s32 s5, s10;
	s17 =	sadd.s32 s7, s2;
	s6 =	sshrl.u32 s6, $0x3  }
0xc: {  	s5 =	sadd.s32 s30, s2;
	s7 =	smax.u32 s31, $0x1;
	s17 =	sshrl.u32 s17, $0x3  }
0xd: {  	s6 =	sadd.s32 s6, s4;
	s8 =	sshrl.u32 s8, $0x3;
	s9 =	sadd.s32 $0x1000, s5  }
0xe: {  	s10 =	sadd.s32 $0x1800, s5;
	s11 =	sadd.s32 $0x2000, s5;
	s4 =	sadd.s32 s4, s8  }
0xf: {  	v0 =	vimm.f32 $1.000000000e+00;
	v1 =	vimm.f32 $0.0e+00;
	s6 =	sadd.s32 $0x16800, s6;
	s8 =	sadd.s32 $0x800, s5;
	s4 =	sadd.s32 $0xC800, s4  }
.LBB2_1:
0x10: {  	[tilespmem:s3], [sflag:$0x1] =	stream.linear.gather [hbm4b:s4+s3], $0x2800, $0x38;
	[tilespmem:$0x6000] =	vst v63  }
0x11: {  	_ =	swait.ge [sflag:s12], $0x2800  }
0x12: {  	[sflag:s12] =	ssyncset.done $0x0  }
0x13: {  	s19 =	simm.s32 $0x40;
	s20 =	simm.s32 $0x0;
	[sflag:s12] =	ssyncadd.s32 $0xFFFFD800  }
.LBB2_2:
0x14: {  	p0 =	sne.s32 s19, $0x1FC0;
	[tilespmem:s20+$0x2800] =	vst v0;
	s21 =	smov.u32 s19;
	s19 =	sadd.s32 $0x40, s19  }
.Ltmp0:
0x15: {  	[tilespmem:s20+$0x3000] =	vst v1;
	(pc) =	sbr.rel @p0 .LBB2_2-.Ltmp0, $2  }
0x16: {  	_ =	sdelay $0x2  }
0x17: {  	s20 =	sshra.s32 s21, $0x2  }
0x18: {  	[tilespmem:s20+$0x2800] =	vst v0  }
0x19: {  	[tilespmem:s20+$0x3000] =	vst v1  }
0x1a: {  	[spmem:s5] =	stream.linear.scatter [tilespmem:s13], [sflag:$0x1], $0x800, $0x38;
	[tilespmem:$0x6000] =	vst v63  }
0x1b: {  	_ =	swait.ge [sflag:s12], $0x800  }
0x1c: {  	[sflag:s12] =	ssyncset.done $0x0  }
0x1d: {  	[sflag:s12] =	ssyncadd.s32 $0xFFFFF800  }
0x1e: {  	[spmem:s8] =	stream.linear.scatter [tilespmem:s13], [sflag:$0x1], $0x800, $0x38;
	[tilespmem:$0x6000] =	vst v63  }
0x1f: {  	_ =	swait.ge [sflag:s12], $0x800  }
0x20: {  	[sflag:s12] =	ssyncset.done $0x0  }
0x21: {  	[sflag:s12] =	ssyncadd.s32 $0xFFFFF800  }
0x22: {  	[spmem:s9] =	stream.linear.scatter [tilespmem:s13], [sflag:$0x1], $0x800, $0x38;
	[tilespmem:$0x6000] =	vst v63  }
0x23: {  	_ =	swait.ge [sflag:s12], $0x800  }
0x24: {  	[sflag:s12] =	ssyncset.done $0x0  }
0x25: {  	[sflag:s12] =	ssyncadd.s32 $0xFFFFF800  }
0x26: {  	[spmem:s10] =	stream.linear.scatter [tilespmem:s13], [sflag:$0x1], $0x800, $0x38;
	[tilespmem:$0x6000] =	vst v63  }
0x27: {  	_ =	swait.ge [sflag:s12], $0x800  }
0x28: {  	[sflag:s12] =	ssyncset.done $0x0  }
0x29: {  	[sflag:s12] =	ssyncadd.s32 $0xFFFFF800  }
0x2a: {  	[spmem:s11] =	stream.linear.scatter [tilespmem:s13], [sflag:$0x1], $0x800, $0x38;
	[tilespmem:$0x6000] =	vst v63  }
0x2b: {  	_ =	swait.ge [sflag:s12], $0x800  }
0x2c: {  	[sflag:s12] =	ssyncset.done $0x0  }
0x2d: {  	[sflag:s12] =	ssyncadd.s32 $0xFFFFF800  }
0x2e: {  	s19 =	simm.s32 $0x0;
	[bflag:$0x0] =	sbarrier.arrive $0xFFFF  }
0x2f: {  	[spmem:s2] =	stream.indirect.scatter.add.f32 [tilespmem:s15], [sflag:$0x1], $0x10, s19, s14, $0xb8;
	[tilespmem:$0x6000] =	vst v63  }
0x30: {  	_ =	swait.ge [sflag:s12], $0x800  }
0x31: {  	s19 =	simm.s32 $0x200;
	[sflag:s12] =	ssyncset.done $0x0  }
.LBB2_4:
0x32: {  	s20 =	sshra.s32 s19, $0x2;
	[sflag:s12] =	ssyncadd.s32 $0xFFFFF800;
	p0 =	sne.s32 s19, $0x9E00  }
0x33: {  	[spmem:s2] =	stream.indirect.scatter.add.f32 [tilespmem:s15], [sflag:$0x1], $0x10, s20, s14, $0xb8;
	[tilespmem:$0x6000] =	vst v63  }
.Ltmp1:
0x34: {  	_ = 	snop;
	(pc) =	sbr.rel @p0 .LBB2_4-.Ltmp1, $4  }
0x35: {  	_ = 	snop  }
0x36: {  	s19 =	sadd.s32 $0x200, s19  }
0x37: {  	_ =	swait.ge [sflag:s12], $0x800  }
0x38: {  	[sflag:s12] =	ssyncset.done $0x0  }
0x39: {  	s18 =	sadd.s32 $0x1, s18  }
0x3a: {  	[sflag:s12] =	ssyncadd.s32 $0xFFFFF800;
	p0 =	sne.s32 s18, s7  }
.Ltmp2:
0x3b: {  	[bflag:$0x0] =	sbarrier.arrive $0xFFFF;
	(pc) =	sbr.rel @p0 .LBB2_1-.Ltmp2, $4  }
0x3c: {  	[hbm:s6], [sflag:s16] =	dma.local [spmem:s17], $0x500  }
0x3d: {  	_ =	swait.ge [sflag:s12], $0x500  }
0x3e: {  	[sflag:s12] =	ssyncset.done $0x0  }
0x3f: {  	[sflag:s12] =	ssyncadd.s32 $0xFFFFFB00  }
0x40: {  	_ =	sfence.sel $0x180000  }
0x41: {  	[bflag:$0x0] =	sbarrier.arrive $0xFFFF  }
0x42: {  	p0 =	sne.s32 s0, $0x0;
	_ =	strace $0x90000047  }
0x43: {  	s0 =	sadd.s32 @!p0 $0x100000, s1;
	[bflag:$0x2] =	sbarrier.arrive $0xFFFF  }
0x44: {  	[sflag:s0] =	ssyncadd.tile.s32 @!p0 $0x1;
	_ =	shalt  }
.Lfunc_end2:
_tile_overlayer_lowered:
.L_overlay_start_2:
0x45: {  	(tag) =	ssettag $0x2  }
0x46: {  	s0 =	rddreg [dreg:$0x0];
	s2 =	stileid.u32  }
0x47: {  	s1 =	rddreg [dreg:$0x1];
	p0 =	sne.s32 s2, $0x0  }
0x48: {  	s3 =	rddreg [dreg:$0x2];
	[bflag:$0x3] =	sbarrier.arrive $0xFFFF;
	s2 =	simm.s32 @!p0 $0x1C01  }
0x49: {  	[timem:s3], [sflag:s2] =	dma.local @!p0 [hbm:s0], s1  }
0x4a: {  	s0 =	simm.s32 @!p0 $0x1  }
0x4b: {  	_ =	swait.ge @!p0 [sflag:s0], s1  }
0x4c: {  	s1 =	ssub.s32 @!p0 $0x0, s1;
	[sflag:s0] =	ssyncset.done @!p0 $0x0  }
0x4d: {  	[sflag:s0] =	ssyncadd.s32 @!p0 s1  }
0x4e: {  	[bflag:$0x3] =	sbarrier.arrive $0xFFFF  }
0x4f: {  	_ =	shalt  }

</sc_bundles>
